<compile_context>
chip_gen: v7x
topology: tpu7x:2x2x1
jax: 0.10.2.dev20260603
libtpu: 0.0.44.dev20260713+nightly
codegen_flags: <defaults>
</compile_context>

<pallas_src>
import functools

import jax
import jax.numpy as jnp
from jax import lax
from jax.experimental import pallas as pl
from jax.experimental.pallas import tpu as pltpu
from jax.experimental.pallas import tpu_sc as plsc

VOCAB = 1000000
EMBED_DIM = 64
BATCH = 16384
HIST = 50

B = BATCH * HIST
NC, NS = 2, 16
NW = NC * NS
B_PER_W = B // NW
IDX_MINOR = 128
N_SUB = 4
CHUNK = N_SUB * IDX_MINOR
N_ITERS = B_PER_W // CHUNK
IDX_ROWS_PER_CHUNK = CHUNK // IDX_MINOR


def _make_kernel():
    mesh = plsc.VectorSubcoreMesh(core_axis_name="c", subcore_axis_name="s")

    @functools.partial(
        pl.kernel,
        mesh=mesh,
        out_type=jax.ShapeDtypeStruct((B, EMBED_DIM), jnp.float32),
        compiler_params=pltpu.CompilerParams(use_tc_tiling_on_sc=False),
        scratch_types=[
            pltpu.VMEM((2, N_SUB, IDX_MINOR), jnp.int32),
            pltpu.VMEM((2, CHUNK, EMBED_DIM), jnp.float32),
            pltpu.SemaphoreType.DMA,
            pltpu.SemaphoreType.DMA,
            pltpu.SemaphoreType.DMA,
            pltpu.SemaphoreType.DMA,
            pltpu.SemaphoreType.DMA,
            pltpu.SemaphoreType.DMA,
        ],
    )
    def k(idx_hbm, table_hbm, out_hbm, idx_v, rows_v,
          idx_sem0, idx_sem1, gat_sem0, gat_sem1, out_sem0, out_sem1):
        idx_sems = (idx_sem0, idx_sem1)
        gat_sems = (gat_sem0, gat_sem1)
        out_sems = (out_sem0, out_sem1)

        wid = lax.axis_index("s") * NC + lax.axis_index("c")
        base = wid * B_PER_W
        base128 = wid * (B_PER_W // IDX_MINOR)

        def idx_copy(i, b):
            return pltpu.make_async_copy(
                idx_hbm.at[pl.ds(base128 + i * N_SUB, N_SUB)],
                idx_v.at[b],
                idx_sems[b],
            )

        def fire_gathers(b):
            for j in range(N_SUB):
                pltpu.async_copy(
                    table_hbm.at[idx_v.at[b].at[j]],
                    rows_v.at[b].at[pl.ds(j * IDX_MINOR, IDX_MINOR)],
                    gat_sems[b],
                )

        def wait_gathers(b):
            for j in range(N_SUB):
                pltpu.make_async_copy(
                    table_hbm.at[idx_v.at[b].at[j]],
                    rows_v.at[b].at[pl.ds(j * IDX_MINOR, IDX_MINOR)],
                    gat_sems[b],
                ).wait()

        def store_copy(i, b):
            return pltpu.make_async_copy(
                rows_v.at[b],
                out_hbm.at[pl.ds(base + i * CHUNK, CHUNK)],
                out_sems[b],
            )

        idx_copy(0, 0).start()
        idx_copy(1, 1).start()
        idx_copy(0, 0).wait()
        fire_gathers(0)

        def body(g, _):
            for b in range(2):
                i = 2 * g + b
                @pl.when(i + 1 < N_ITERS)
                def _():
                    idx_copy(i + 1, 1 - b).wait()

                    @pl.when(i >= 1)
                    def _():
                        store_copy(i - 1, 1 - b).wait()

                    fire_gathers(1 - b)

                wait_gathers(b)
                @pl.when(i + 2 < N_ITERS)
                def _():
                    idx_copy(i + 2, b).start()
                store_copy(i, b).start()
            return 0

        lax.fori_loop(0, N_ITERS // 2, body, 0)

        store_copy(N_ITERS - 2, 0).wait()
        store_copy(N_ITERS - 1, 1).wait()

    return k


_gather = _make_kernel()


def kernel(inputs, table):
    idx2d = inputs.reshape(B // IDX_MINOR, IDX_MINOR)
    out = _gather(idx2d, table)
    return out.reshape(BATCH, HIST, EMBED_DIM)

# --- scband reference (transcript-rebuilt; emitter-appended) ---
"""Pipeline reference for scband-generic-embedding-11441792876871 (READ-ONLY COPY).

The authoritative reference and input builder live on the scoring server;
editing this copy changes nothing except your own understanding.
"""

import jax, jax.numpy as jnp
import numpy as np

VOCAB = 1000000
EMBED_DIM = 64
BATCH = 16384
HIST = 50

def setup_inputs(seed: int = 0) -> dict:
    key = jax.random.key(seed)
    k1, k2 = jax.random.split(key)
    inputs = jax.random.randint(k1, (BATCH, HIST), 0, VOCAB, dtype=jnp.int64 if jax.config.jax_enable_x64 else jnp.int32)
    table = jax.random.normal(k2, (VOCAB, EMBED_DIM), dtype=jnp.float32) * 0.02
    return {"inputs": inputs, "table": table}

def reference(inputs, table):
    # keras.layers.Embedding lookup: table[inputs]
    return jnp.take(table, inputs, axis=0)

if __name__ == "__main__":
    import jax
    _d = setup_inputs()
    print(jax.jit(kernel)(*tuple(_d.values())))

</pallas_src>

<mosaic_0001>
#map = affine_map<(d0, d1) -> (0, 0)>
module attributes {stable_mosaic.version = 14 : i64} {
  func.func @k(%arg0: i32, %arg1: i32, %arg2: memref<6400x128xi32, #tpu.memory_space<hbm>>, %arg3: memref<1000000x64xf32, #tpu.memory_space<hbm>>, %arg4: memref<819200x64xf32, #tpu.memory_space<hbm>>, %arg5: memref<2x4x128xi32, #tpu.memory_space<vmem>>, %arg6: memref<2x512x64xf32, #tpu.memory_space<vmem>>, %arg7: memref<!tpu.dma_semaphore, #tpu.memory_space<semaphore_mem>>, %arg8: memref<!tpu.dma_semaphore, #tpu.memory_space<semaphore_mem>>, %arg9: memref<!tpu.dma_semaphore, #tpu.memory_space<semaphore_mem>>, %arg10: memref<!tpu.dma_semaphore, #tpu.memory_space<semaphore_mem>>, %arg11: memref<!tpu.dma_semaphore, #tpu.memory_space<semaphore_mem>>, %arg12: memref<!tpu.dma_semaphore, #tpu.memory_space<semaphore_mem>>) attributes {dimension_semantics = [#tpu.dimension_semantics<core_parallel>, #tpu.dimension_semantics<subcore_parallel>], iteration_bounds = array<i64: 2, 16>, scalar_prefetch = 0 : i64, scratch_operands = 8 : i64, tpu.core_type = #tpu.core_type<sc_vector_subcore>, window_params = [{transform_indices = #map}, {transform_indices = #map}, {transform_indices = #map}]} {
    %mul3A = arith.constant 2 : i32
    %mul3A_0 = arith.muli %arg1, %mul3A : i32
    %add3A = arith.addi %mul3A_0, %arg0 : i32
    %mul3A_1 = arith.constant 25600 : i32
    %mul3A_2 = arith.muli %add3A, %mul3A_1 : i32
    %mul3A_3 = arith.constant 200 : i32
    %mul3A_4 = arith.muli %add3A, %mul3A_3 : i32
    %add3A_5 = arith.constant 0 : i32
    %add3A_6 = arith.addi %mul3A_4, %add3A_5 : i32
    %dma_start3A = arith.constant 0 : i32
    %dma_start3A_7 = arith.constant 0 : i32
    %dma_start3A_8 = arith.constant 0 : i32
    %dma_start3A_9 = tpu.memref_slice %arg5[%dma_start3A, %dma_start3A_7, %dma_start3A_8] : memref<2x4x128xi32, #tpu.memory_space<vmem>> -> memref<1x4x128xi32, #tpu.memory_space<vmem>>
    %dma_start3A_10 = tpu.memref_squeeze %dma_start3A_9 : memref<1x4x128xi32, #tpu.memory_space<vmem>> -> memref<4x128xi32, #tpu.memory_space<vmem>>
    %dma_start3A_11 = arith.constant 0 : i32
    %dma_start3A_12 = tpu.memref_slice %arg2[%add3A_6, %dma_start3A_11] : memref<6400x128xi32, #tpu.memory_space<hbm>> -> memref<4x128xi32, #tpu.memory_space<hbm>>
    %dma_start3A_13 = arith.constant 0 : i32
    %dma_start3A_14 = arith.constant 0 : i32
    %dma_start3A_15 = tpu.memref_slice %arg5[%dma_start3A, %dma_start3A_13, %dma_start3A_14] : memref<2x4x128xi32, #tpu.memory_space<vmem>> -> memref<1x4x128xi32, #tpu.memory_space<vmem>>
    %dma_start3A_16 = tpu.memref_squeeze %dma_start3A_15 : memref<1x4x128xi32, #tpu.memory_space<vmem>> -> memref<4x128xi32, #tpu.memory_space<vmem>>
    %dma_start3A_17 = arith.constant 0 : i32
    %dma_start3A_18 = tpu.memref_slice %arg2[%add3A_6, %dma_start3A_17] : memref<6400x128xi32, #tpu.memory_space<hbm>> -> memref<4x128xi32, #tpu.memory_space<hbm>>
    tpu.enqueue_dma source(%dma_start3A_18 : memref<4x128xi32, #tpu.memory_space<hbm>>) target(%dma_start3A_16 : memref<4x128xi32, #tpu.memory_space<vmem>>) target_semaphore(%arg7 : memref<!tpu.dma_semaphore, #tpu.memory_space<semaphore_mem>>)
    %add3A_19 = arith.constant 4 : i32
    %add3A_20 = arith.addi %mul3A_4, %add3A_19 : i32
    %dma_start3A_21 = arith.constant 1 : i32
    %dma_start3A_22 = arith.constant 0 : i32
    %dma_start3A_23 = arith.constant 0 : i32
    %dma_start3A_24 = tpu.memref_slice %arg5[%dma_start3A_21, %dma_start3A_22, %dma_start3A_23] : memref<2x4x128xi32, #tpu.memory_space<vmem>> -> memref<1x4x128xi32, #tpu.memory_space<vmem>>
    %dma_start3A_25 = tpu.memref_squeeze %dma_start3A_24 : memref<1x4x128xi32, #tpu.memory_space<vmem>> -> memref<4x128xi32, #tpu.memory_space<vmem>>
    %dma_start3A_26 = arith.constant 0 : i32
    %dma_start3A_27 = tpu.memref_slice %arg2[%add3A_20, %dma_start3A_26] : memref<6400x128xi32, #tpu.memory_space<hbm>> -> memref<4x128xi32, #tpu.memory_space<hbm>>
    %dma_start3A_28 = arith.constant 0 : i32
    %dma_start3A_29 = arith.constant 0 : i32
    %dma_start3A_30 = tpu.memref_slice %arg5[%dma_start3A_21, %dma_start3A_28, %dma_start3A_29] : memref<2x4x128xi32, #tpu.memory_space<vmem>> -> memref<1x4x128xi32, #tpu.memory_space<vmem>>
    %dma_start3A_31 = tpu.memref_squeeze %dma_start3A_30 : memref<1x4x128xi32, #tpu.memory_space<vmem>> -> memref<4x128xi32, #tpu.memory_space<vmem>>
    %dma_start3A_32 = arith.constant 0 : i32
    %dma_start3A_33 = tpu.memref_slice %arg2[%add3A_20, %dma_start3A_32] : memref<6400x128xi32, #tpu.memory_space<hbm>> -> memref<4x128xi32, #tpu.memory_space<hbm>>
    tpu.enqueue_dma source(%dma_start3A_33 : memref<4x128xi32, #tpu.memory_space<hbm>>) target(%dma_start3A_31 : memref<4x128xi32, #tpu.memory_space<vmem>>) target_semaphore(%arg8 : memref<!tpu.dma_semaphore, #tpu.memory_space<semaphore_mem>>)
    %add3A_34 = arith.constant 0 : i32
    %add3A_35 = arith.addi %mul3A_4, %add3A_34 : i32
    %dma_wait3A = arith.constant 0 : i32
    %dma_wait3A_36 = arith.constant 0 : i32
    %dma_wait3A_37 = arith.constant 0 : i32
    %dma_wait3A_38 = tpu.memref_slice %arg5[%dma_wait3A, %dma_wait3A_36, %dma_wait3A_37] : memref<2x4x128xi32, #tpu.memory_space<vmem>> -> memref<1x4x128xi32, #tpu.memory_space<vmem>>
    %dma_wait3A_39 = tpu.memref_squeeze %dma_wait3A_38 : memref<1x4x128xi32, #tpu.memory_space<vmem>> -> memref<4x128xi32, #tpu.memory_space<vmem>>
    %dma_wait3A_40 = arith.constant 0 : i32
    %dma_wait3A_41 = tpu.memref_slice %arg2[%add3A_35, %dma_wait3A_40] : memref<6400x128xi32, #tpu.memory_space<hbm>> -> memref<4x128xi32, #tpu.memory_space<hbm>>
    %dma_wait3A_42 = arith.constant 0 : i32
    %dma_wait3A_43 = arith.constant 0 : i32
    %dma_wait3A_44 = tpu.memref_slice %arg5[%dma_wait3A, %dma_wait3A_42, %dma_wait3A_43] : memref<2x4x128xi32, #tpu.memory_space<vmem>> -> memref<1x4x128xi32, #tpu.memory_space<vmem>>
    %dma_wait3A_45 = tpu.memref_squeeze %dma_wait3A_44 : memref<1x4x128xi32, #tpu.memory_space<vmem>> -> memref<4x128xi32, #tpu.memory_space<vmem>>
    %dma_wait3A_46 = arith.constant 0 : i32
    %dma_wait3A_47 = tpu.memref_slice %arg2[%add3A_35, %dma_wait3A_46] : memref<6400x128xi32, #tpu.memory_space<hbm>> -> memref<4x128xi32, #tpu.memory_space<hbm>>
    tpu.wait_dma2 semaphore(%arg7 : memref<!tpu.dma_semaphore, #tpu.memory_space<semaphore_mem>>) src(%dma_wait3A_47 : memref<4x128xi32, #tpu.memory_space<hbm>>) dst(%dma_wait3A_45 : memref<4x128xi32, #tpu.memory_space<vmem>>)
    %dma_start3A_48 = arith.constant 0 : i32
    %dma_start3A_49 = arith.constant 0 : i32
    %dma_start3A_50 = arith.constant 0 : i32
    %dma_start3A_51 = arith.constant 0 : i32
    %dma_start3A_52 = arith.constant 0 : i32
    %dma_start3A_53 = tpu.memref_slice %arg6[%dma_start3A_50, %dma_start3A_51, %dma_start3A_52] : memref<2x512x64xf32, #tpu.memory_space<vmem>> -> memref<1x512x64xf32, #tpu.memory_space<vmem>>
    %dma_start3A_54 = tpu.memref_squeeze %dma_start3A_53 : memref<1x512x64xf32, #tpu.memory_space<vmem>> -> memref<512x64xf32, #tpu.memory_space<vmem>>
    %dma_start3A_55 = arith.constant 0 : i32
    %dma_start3A_56 = arith.constant 0 : i32
    %dma_start3A_57 = tpu.memref_slice %dma_start3A_54[%dma_start3A_55, %dma_start3A_56] : memref<512x64xf32, #tpu.memory_space<vmem>> -> memref<128x64xf32, #tpu.memory_space<vmem>>
    %dma_start3A_58 = arith.constant 0 : i32
    %dma_start3A_59 = arith.constant 0 : i32
    %dma_start3A_60 = tpu.memref_slice %arg5[%dma_start3A_48, %dma_start3A_58, %dma_start3A_59] : memref<2x4x128xi32, #tpu.memory_space<vmem>> -> memref<1x4x128xi32, #tpu.memory_space<vmem>>
    %dma_start3A_61 = tpu.memref_squeeze %dma_start3A_60 : memref<1x4x128xi32, #tpu.memory_space<vmem>> -> memref<4x128xi32, #tpu.memory_space<vmem>>
    %dma_start3A_62 = arith.constant 0 : i32
    %dma_start3A_63 = tpu.memref_slice %dma_start3A_61[%dma_start3A_49, %dma_start3A_62] : memref<4x128xi32, #tpu.memory_space<vmem>> -> memref<1x128xi32, #tpu.memory_space<vmem>>
    %dma_start3A_64 = tpu.memref_squeeze %dma_start3A_63 : memref<1x128xi32, #tpu.memory_space<vmem>> -> memref<128xi32, #tpu.memory_space<vmem>>
    %dma_start3A_65 = arith.constant 0 : i32
    %dma_start3A_66 = arith.constant 0 : i32
    %dma_start3A_67 = tpu.memref_slice %arg3[%dma_start3A_65, %dma_start3A_66] : memref<1000000x64xf32, #tpu.memory_space<hbm>> -> memref<1000000x64xf32, #tpu.memory_space<hbm>>
    tpu.enqueue_indirect_dma source(%dma_start3A_67 : memref<1000000x64xf32, #tpu.memory_space<hbm>>) target(%dma_start3A_57 : memref<128x64xf32, #tpu.memory_space<vmem>>) offsets(%dma_start3A_64 : memref<128xi32, #tpu.memory_space<vmem>>) semaphore(%arg9 : memref<!tpu.dma_semaphore, #tpu.memory_space<semaphore_mem>>)
    %dma_start3A_68 = arith.constant 0 : i32
    %dma_start3A_69 = arith.constant 1 : i32
    %dma_start3A_70 = arith.constant 0 : i32
    %dma_start3A_71 = arith.constant 0 : i32
    %dma_start3A_72 = arith.constant 0 : i32
    %dma_start3A_73 = tpu.memref_slice %arg6[%dma_start3A_70, %dma_start3A_71, %dma_start3A_72] : memref<2x512x64xf32, #tpu.memory_space<vmem>> -> memref<1x512x64xf32, #tpu.memory_space<vmem>>
    %dma_start3A_74 = tpu.memref_squeeze %dma_start3A_73 : memref<1x512x64xf32, #tpu.memory_space<vmem>> -> memref<512x64xf32, #tpu.memory_space<vmem>>
    %dma_start3A_75 = arith.constant 128 : i32
    %dma_start3A_76 = arith.constant 0 : i32
    %dma_start3A_77 = tpu.memref_slice %dma_start3A_74[%dma_start3A_75, %dma_start3A_76] : memref<512x64xf32, #tpu.memory_space<vmem>> -> memref<128x64xf32, #tpu.memory_space<vmem>>
    %dma_start3A_78 = arith.constant 0 : i32
    %dma_start3A_79 = arith.constant 0 : i32
    %dma_start3A_80 = tpu.memref_slice %arg5[%dma_start3A_68, %dma_start3A_78, %dma_start3A_79] : memref<2x4x128xi32, #tpu.memory_space<vmem>> -> memref<1x4x128xi32, #tpu.memory_space<vmem>>
    %dma_start3A_81 = tpu.memref_squeeze %dma_start3A_80 : memref<1x4x128xi32, #tpu.memory_space<vmem>> -> memref<4x128xi32, #tpu.memory_space<vmem>>
    %dma_start3A_82 = arith.constant 0 : i32
    %dma_start3A_83 = tpu.memref_slice %dma_start3A_81[%dma_start3A_69, %dma_start3A_82] : memref<4x128xi32, #tpu.memory_space<vmem>> -> memref<1x128xi32, #tpu.memory_space<vmem>>
    %dma_start3A_84 = tpu.memref_squeeze %dma_start3A_83 : memref<1x128xi32, #tpu.memory_space<vmem>> -> memref<128xi32, #tpu.memory_space<vmem>>
    %dma_start3A_85 = arith.constant 0 : i32
    %dma_start3A_86 = arith.constant 0 : i32
    %dma_start3A_87 = tpu.memref_slice %arg3[%dma_start3A_85, %dma_start3A_86] : memref<1000000x64xf32, #tpu.memory_space<hbm>> -> memref<1000000x64xf32, #tpu.memory_space<hbm>>
    tpu.enqueue_indirect_dma source(%dma_start3A_87 : memref<1000000x64xf32, #tpu.memory_space<hbm>>) target(%dma_start3A_77 : memref<128x64xf32, #tpu.memory_space<vmem>>) offsets(%dma_start3A_84 : memref<128xi32, #tpu.memory_space<vmem>>) semaphore(%arg9 : memref<!tpu.dma_semaphore, #tpu.memory_space<semaphore_mem>>)
    %dma_start3A_88 = arith.constant 0 : i32
    %dma_start3A_89 = arith.constant 2 : i32
    %dma_start3A_90 = arith.constant 0 : i32
    %dma_start3A_91 = arith.constant 0 : i32
    %dma_start3A_92 = arith.constant 0 : i32
    %dma_start3A_93 = tpu.memref_slice %arg6[%dma_start3A_90, %dma_start3A_91, %dma_start3A_92] : memref<2x512x64xf32, #tpu.memory_space<vmem>> -> memref<1x512x64xf32, #tpu.memory_space<vmem>>
    %dma_start3A_94 = tpu.memref_squeeze %dma_start3A_93 : memref<1x512x64xf32, #tpu.memory_space<vmem>> -> memref<512x64xf32, #tpu.memory_space<vmem>>
    %dma_start3A_95 = arith.constant 256 : i32
    %dma_start3A_96 = arith.constant 0 : i32
    %dma_start3A_97 = tpu.memref_slice %dma_start3A_94[%dma_start3A_95, %dma_start3A_96] : memref<512x64xf32, #tpu.memory_space<vmem>> -> memref<128x64xf32, #tpu.memory_space<vmem>>
    %dma_start3A_98 = arith.constant 0 : i32
    %dma_start3A_99 = arith.constant 0 : i32
    %dma_start3A_100 = tpu.memref_slice %arg5[%dma_start3A_88, %dma_start3A_98, %dma_start3A_99] : memref<2x4x128xi32, #tpu.memory_space<vmem>> -> memref<1x4x128xi32, #tpu.memory_space<vmem>>
    %dma_start3A_101 = tpu.memref_squeeze %dma_start3A_100 : memref<1x4x128xi32, #tpu.memory_space<vmem>> -> memref<4x128xi32, #tpu.memory_space<vmem>>
    %dma_start3A_102 = arith.constant 0 : i32
    %dma_start3A_103 = tpu.memref_slice %dma_start3A_101[%dma_start3A_89, %dma_start3A_102] : memref<4x128xi32, #tpu.memory_space<vmem>> -> memref<1x128xi32, #tpu.memory_space<vmem>>
    %dma_start3A_104 = tpu.memref_squeeze %dma_start3A_103 : memref<1x128xi32, #tpu.memory_space<vmem>> -> memref<128xi32, #tpu.memory_space<vmem>>
    %dma_start3A_105 = arith.constant 0 : i32
    %dma_start3A_106 = arith.constant 0 : i32
    %dma_start3A_107 = tpu.memref_slice %arg3[%dma_start3A_105, %dma_start3A_106] : memref<1000000x64xf32, #tpu.memory_space<hbm>> -> memref<1000000x64xf32, #tpu.memory_space<hbm>>
    tpu.enqueue_indirect_dma source(%dma_start3A_107 : memref<1000000x64xf32, #tpu.memory_space<hbm>>) target(%dma_start3A_97 : memref<128x64xf32, #tpu.memory_space<vmem>>) offsets(%dma_start3A_104 : memref<128xi32, #tpu.memory_space<vmem>>) semaphore(%arg9 : memref<!tpu.dma_semaphore, #tpu.memory_space<semaphore_mem>>)
    %dma_start3A_108 = arith.constant 0 : i32
    %dma_start3A_109 = arith.constant 3 : i32
    %dma_start3A_110 = arith.constant 0 : i32
    %dma_start3A_111 = arith.constant 0 : i32
    %dma_start3A_112 = arith.constant 0 : i32
    %dma_start3A_113 = tpu.memref_slice %arg6[%dma_start3A_110, %dma_start3A_111, %dma_start3A_112] : memref<2x512x64xf32, #tpu.memory_space<vmem>> -> memref<1x512x64xf32, #tpu.memory_space<vmem>>
    %dma_start3A_114 = tpu.memref_squeeze %dma_start3A_113 : memref<1x512x64xf32, #tpu.memory_space<vmem>> -> memref<512x64xf32, #tpu.memory_space<vmem>>
    %dma_start3A_115 = arith.constant 384 : i32
    %dma_start3A_116 = arith.constant 0 : i32
    %dma_start3A_117 = tpu.memref_slice %dma_start3A_114[%dma_start3A_115, %dma_start3A_116] : memref<512x64xf32, #tpu.memory_space<vmem>> -> memref<128x64xf32, #tpu.memory_space<vmem>>
    %dma_start3A_118 = arith.constant 0 : i32
    %dma_start3A_119 = arith.constant 0 : i32
    %dma_start3A_120 = tpu.memref_slice %arg5[%dma_start3A_108, %dma_start3A_118, %dma_start3A_119] : memref<2x4x128xi32, #tpu.memory_space<vmem>> -> memref<1x4x128xi32, #tpu.memory_space<vmem>>
    %dma_start3A_121 = tpu.memref_squeeze %dma_start3A_120 : memref<1x4x128xi32, #tpu.memory_space<vmem>> -> memref<4x128xi32, #tpu.memory_space<vmem>>
    %dma_start3A_122 = arith.constant 0 : i32
    %dma_start3A_123 = tpu.memref_slice %dma_start3A_121[%dma_start3A_109, %dma_start3A_122] : memref<4x128xi32, #tpu.memory_space<vmem>> -> memref<1x128xi32, #tpu.memory_space<vmem>>
    %dma_start3A_124 = tpu.memref_squeeze %dma_start3A_123 : memref<1x128xi32, #tpu.memory_space<vmem>> -> memref<128xi32, #tpu.memory_space<vmem>>
    %dma_start3A_125 = arith.constant 0 : i32
    %dma_start3A_126 = arith.constant 0 : i32
    %dma_start3A_127 = tpu.memref_slice %arg3[%dma_start3A_125, %dma_start3A_126] : memref<1000000x64xf32, #tpu.memory_space<hbm>> -> memref<1000000x64xf32, #tpu.memory_space<hbm>>
    tpu.enqueue_indirect_dma source(%dma_start3A_127 : memref<1000000x64xf32, #tpu.memory_space<hbm>>) target(%dma_start3A_117 : memref<128x64xf32, #tpu.memory_space<vmem>>) offsets(%dma_start3A_124 : memref<128xi32, #tpu.memory_space<vmem>>) semaphore(%arg9 : memref<!tpu.dma_semaphore, #tpu.memory_space<semaphore_mem>>)
    %scan3A = arith.constant 0 : i32
    %scan3A_128 = arith.constant 0 : i32
    %scan3A_129 = arith.constant 25 : i32
    %scan3A_130 = arith.addi %scan3A_128, %scan3A_129 : i32
    %scan3A_131 = arith.constant 1 : i32
    %scan3A_132 = scf.for %scan3A_164 = %scan3A_128 to %scan3A_130 step %scan3A_131 iter_args(%scan3A_165 = %scan3A) -> (i32)  : i32 {
      %mul3A_166 = arith.constant 2 : i32
      %mul3A_167 = arith.muli %mul3A_166, %scan3A_164 : i32
      %add3A_168 = arith.constant 0 : i32
      %add3A_169 = arith.addi %mul3A_167, %add3A_168 : i32
      %add3A_170 = arith.constant 1 : i32
      %add3A_171 = arith.addi %add3A_169, %add3A_170 : i32
      %lt3A = arith.constant 50 : i32
      %lt3A_172 = arith.cmpi slt, %add3A_171, %lt3A : i32
      %convert_element_type3A = arith.extui %lt3A_172 : i1 to i32
      %cond3A = arith.constant 0 : i32
      %cond3A_173 = arith.cmpi ne, %convert_element_type3A, %cond3A : i32
      scf.if %cond3A_173 {
        %add3A_392 = arith.constant 1 : i32
        %add3A_393 = arith.addi %add3A_169, %add3A_392 : i32
        %mul3A_394 = arith.constant 4 : i32
        %mul3A_395 = arith.muli %add3A_393, %mul3A_394 : i32
        %add3A_396 = arith.addi %mul3A_4, %mul3A_395 : i32
        %dma_wait3A_397 = arith.constant 1 : i32
        %dma_wait3A_398 = arith.constant 0 : i32
        %dma_wait3A_399 = arith.constant 0 : i32
        %dma_wait3A_400 = tpu.memref_slice %arg5[%dma_wait3A_397, %dma_wait3A_398, %dma_wait3A_399] : memref<2x4x128xi32, #tpu.memory_space<vmem>> -> memref<1x4x128xi32, #tpu.memory_space<vmem>>
        %dma_wait3A_401 = tpu.memref_squeeze %dma_wait3A_400 : memref<1x4x128xi32, #tpu.memory_space<vmem>> -> memref<4x128xi32, #tpu.memory_space<vmem>>
        %dma_wait3A_402 = arith.constant 0 : i32
        %dma_wait3A_403 = tpu.memref_slice %arg2[%add3A_396, %dma_wait3A_402] : memref<6400x128xi32, #tpu.memory_space<hbm>> -> memref<4x128xi32, #tpu.memory_space<hbm>>
        %dma_wait3A_404 = arith.constant 0 : i32
        %dma_wait3A_405 = arith.constant 0 : i32
        %dma_wait3A_406 = tpu.memref_slice %arg5[%dma_wait3A_397, %dma_wait3A_404, %dma_wait3A_405] : memref<2x4x128xi32, #tpu.memory_space<vmem>> -> memref<1x4x128xi32, #tpu.memory_space<vmem>>
        %dma_wait3A_407 = tpu.memref_squeeze %dma_wait3A_406 : memref<1x4x128xi32, #tpu.memory_space<vmem>> -> memref<4x128xi32, #tpu.memory_space<vmem>>
        %dma_wait3A_408 = arith.constant 0 : i32
        %dma_wait3A_409 = tpu.memref_slice %arg2[%add3A_396, %dma_wait3A_408] : memref<6400x128xi32, #tpu.memory_space<hbm>> -> memref<4x128xi32, #tpu.memory_space<hbm>>
        tpu.wait_dma2 semaphore(%arg8 : memref<!tpu.dma_semaphore, #tpu.memory_space<semaphore_mem>>) src(%dma_wait3A_409 : memref<4x128xi32, #tpu.memory_space<hbm>>) dst(%dma_wait3A_407 : memref<4x128xi32, #tpu.memory_space<vmem>>)
        %ge3A = arith.constant 1 : i32
        %ge3A_410 = arith.cmpi sge, %add3A_169, %ge3A : i32
        %convert_element_type3A_411 = arith.extui %ge3A_410 : i1 to i32
        %cond3A_412 = arith.constant 0 : i32
        %cond3A_413 = arith.cmpi ne, %convert_element_type3A_411, %cond3A_412 : i32
        scf.if %cond3A_413 {
          %sub3A = arith.constant 1 : i32
          %sub3A_494 = arith.subi %add3A_169, %sub3A : i32
          %mul3A_495 = arith.constant 512 : i32
          %mul3A_496 = arith.muli %sub3A_494, %mul3A_495 : i32
          %add3A_497 = arith.addi %mul3A_2, %mul3A_496 : i32
          %dma_wait3A_498 = arith.constant 1 : i32
          %dma_wait3A_499 = arith.constant 0 : i32
          %dma_wait3A_500 = arith.constant 0 : i32
          %dma_wait3A_501 = tpu.memref_slice %arg6[%dma_wait3A_498, %dma_wait3A_499, %dma_wait3A_500] : memref<2x512x64xf32, #tpu.memory_space<vmem>> -> memref<1x512x64xf32, #tpu.memory_space<vmem>>
          %dma_wait3A_502 = tpu.memref_squeeze %dma_wait3A_501 : memref<1x512x64xf32, #tpu.memory_space<vmem>> -> memref<512x64xf32, #tpu.memory_space<vmem>>
          %dma_wait3A_503 = arith.constant 0 : i32
          %dma_wait3A_504 = tpu.memref_slice %arg4[%add3A_497, %dma_wait3A_503] : memref<819200x64xf32, #tpu.memory_space<hbm>> -> memref<512x64xf32, #tpu.memory_space<hbm>>
          %dma_wait3A_505 = arith.constant 0 : i32
          %dma_wait3A_506 = tpu.memref_slice %arg4[%add3A_497, %dma_wait3A_505] : memref<819200x64xf32, #tpu.memory_space<hbm>> -> memref<512x64xf32, #tpu.memory_space<hbm>>
          %dma_wait3A_507 = arith.constant 0 : i32
          %dma_wait3A_508 = arith.constant 0 : i32
          %dma_wait3A_509 = tpu.memref_slice %arg6[%dma_wait3A_498, %dma_wait3A_507, %dma_wait3A_508] : memref<2x512x64xf32, #tpu.memory_space<vmem>> -> memref<1x512x64xf32, #tpu.memory_space<vmem>>
          %dma_wait3A_510 = tpu.memref_squeeze %dma_wait3A_509 : memref<1x512x64xf32, #tpu.memory_space<vmem>> -> memref<512x64xf32, #tpu.memory_space<vmem>>
          tpu.wait_dma2 semaphore(%arg12 : memref<!tpu.dma_semaphore, #tpu.memory_space<semaphore_mem>>) src(%dma_wait3A_510 : memref<512x64xf32, #tpu.memory_space<vmem>>) dst(%dma_wait3A_506 : memref<512x64xf32, #tpu.memory_space<hbm>>)
        } else {
        }
        %dma_start3A_414 = arith.constant 1 : i32
        %dma_start3A_415 = arith.constant 0 : i32
        %dma_start3A_416 = arith.constant 1 : i32
        %dma_start3A_417 = arith.constant 0 : i32
        %dma_start3A_418 = arith.constant 0 : i32
        %dma_start3A_419 = tpu.memref_slice %arg6[%dma_start3A_416, %dma_start3A_417, %dma_start3A_418] : memref<2x512x64xf32, #tpu.memory_space<vmem>> -> memref<1x512x64xf32, #tpu.memory_space<vmem>>
        %dma_start3A_420 = tpu.memref_squeeze %dma_start3A_419 : memref<1x512x64xf32, #tpu.memory_space<vmem>> -> memref<512x64xf32, #tpu.memory_space<vmem>>
        %dma_start3A_421 = arith.constant 0 : i32
        %dma_start3A_422 = arith.constant 0 : i32
        %dma_start3A_423 = tpu.memref_slice %dma_start3A_420[%dma_start3A_421, %dma_start3A_422] : memref<512x64xf32, #tpu.memory_space<vmem>> -> memref<128x64xf32, #tpu.memory_space<vmem>>
        %dma_start3A_424 = arith.constant 0 : i32
        %dma_start3A_425 = arith.constant 0 : i32
        %dma_start3A_426 = tpu.memref_slice %arg5[%dma_start3A_414, %dma_start3A_424, %dma_start3A_425] : memref<2x4x128xi32, #tpu.memory_space<vmem>> -> memref<1x4x128xi32, #tpu.memory_space<vmem>>
        %dma_start3A_427 = tpu.memref_squeeze %dma_start3A_426 : memref<1x4x128xi32, #tpu.memory_space<vmem>> -> memref<4x128xi32, #tpu.memory_space<vmem>>
        %dma_start3A_428 = arith.constant 0 : i32
        %dma_start3A_429 = tpu.memref_slice %dma_start3A_427[%dma_start3A_415, %dma_start3A_428] : memref<4x128xi32, #tpu.memory_space<vmem>> -> memref<1x128xi32, #tpu.memory_space<vmem>>
        %dma_start3A_430 = tpu.memref_squeeze %dma_start3A_429 : memref<1x128xi32, #tpu.memory_space<vmem>> -> memref<128xi32, #tpu.memory_space<vmem>>
        %dma_start3A_431 = arith.constant 0 : i32
        %dma_start3A_432 = arith.constant 0 : i32
        %dma_start3A_433 = tpu.memref_slice %arg3[%dma_start3A_431, %dma_start3A_432] : memref<1000000x64xf32, #tpu.memory_space<hbm>> -> memref<1000000x64xf32, #tpu.memory_space<hbm>>
        tpu.enqueue_indirect_dma source(%dma_start3A_433 : memref<1000000x64xf32, #tpu.memory_space<hbm>>) target(%dma_start3A_423 : memref<128x64xf32, #tpu.memory_space<vmem>>) offsets(%dma_start3A_430 : memref<128xi32, #tpu.memory_space<vmem>>) semaphore(%arg10 : memref<!tpu.dma_semaphore, #tpu.memory_space<semaphore_mem>>)
        %dma_start3A_434 = arith.constant 1 : i32
        %dma_start3A_435 = arith.constant 1 : i32
        %dma_start3A_436 = arith.constant 1 : i32
        %dma_start3A_437 = arith.constant 0 : i32
        %dma_start3A_438 = arith.constant 0 : i32
        %dma_start3A_439 = tpu.memref_slice %arg6[%dma_start3A_436, %dma_start3A_437, %dma_start3A_438] : memref<2x512x64xf32, #tpu.memory_space<vmem>> -> memref<1x512x64xf32, #tpu.memory_space<vmem>>
        %dma_start3A_440 = tpu.memref_squeeze %dma_start3A_439 : memref<1x512x64xf32, #tpu.memory_space<vmem>> -> memref<512x64xf32, #tpu.memory_space<vmem>>
        %dma_start3A_441 = arith.constant 128 : i32
        %dma_start3A_442 = arith.constant 0 : i32
        %dma_start3A_443 = tpu.memref_slice %dma_start3A_440[%dma_start3A_441, %dma_start3A_442] : memref<512x64xf32, #tpu.memory_space<vmem>> -> memref<128x64xf32, #tpu.memory_space<vmem>>
        %dma_start3A_444 = arith.constant 0 : i32
        %dma_start3A_445 = arith.constant 0 : i32
        %dma_start3A_446 = tpu.memref_slice %arg5[%dma_start3A_434, %dma_start3A_444, %dma_start3A_445] : memref<2x4x128xi32, #tpu.memory_space<vmem>> -> memref<1x4x128xi32, #tpu.memory_space<vmem>>
        %dma_start3A_447 = tpu.memref_squeeze %dma_start3A_446 : memref<1x4x128xi32, #tpu.memory_space<vmem>> -> memref<4x128xi32, #tpu.memory_space<vmem>>
        %dma_start3A_448 = arith.constant 0 : i32
        %dma_start3A_449 = tpu.memref_slice %dma_start3A_447[%dma_start3A_435, %dma_start3A_448] : memref<4x128xi32, #tpu.memory_space<vmem>> -> memref<1x128xi32, #tpu.memory_space<vmem>>
        %dma_start3A_450 = tpu.memref_squeeze %dma_start3A_449 : memref<1x128xi32, #tpu.memory_space<vmem>> -> memref<128xi32, #tpu.memory_space<vmem>>
        %dma_start3A_451 = arith.constant 0 : i32
        %dma_start3A_452 = arith.constant 0 : i32
        %dma_start3A_453 = tpu.memref_slice %arg3[%dma_start3A_451, %dma_start3A_452] : memref<1000000x64xf32, #tpu.memory_space<hbm>> -> memref<1000000x64xf32, #tpu.memory_space<hbm>>
        tpu.enqueue_indirect_dma source(%dma_start3A_453 : memref<1000000x64xf32, #tpu.memory_space<hbm>>) target(%dma_start3A_443 : memref<128x64xf32, #tpu.memory_space<vmem>>) offsets(%dma_start3A_450 : memref<128xi32, #tpu.memory_space<vmem>>) semaphore(%arg10 : memref<!tpu.dma_semaphore, #tpu.memory_space<semaphore_mem>>)
        %dma_start3A_454 = arith.constant 1 : i32
        %dma_start3A_455 = arith.constant 2 : i32
        %dma_start3A_456 = arith.constant 1 : i32
        %dma_start3A_457 = arith.constant 0 : i32
        %dma_start3A_458 = arith.constant 0 : i32
        %dma_start3A_459 = tpu.memref_slice %arg6[%dma_start3A_456, %dma_start3A_457, %dma_start3A_458] : memref<2x512x64xf32, #tpu.memory_space<vmem>> -> memref<1x512x64xf32, #tpu.memory_space<vmem>>
        %dma_start3A_460 = tpu.memref_squeeze %dma_start3A_459 : memref<1x512x64xf32, #tpu.memory_space<vmem>> -> memref<512x64xf32, #tpu.memory_space<vmem>>
        %dma_start3A_461 = arith.constant 256 : i32
        %dma_start3A_462 = arith.constant 0 : i32
        %dma_start3A_463 = tpu.memref_slice %dma_start3A_460[%dma_start3A_461, %dma_start3A_462] : memref<512x64xf32, #tpu.memory_space<vmem>> -> memref<128x64xf32, #tpu.memory_space<vmem>>
        %dma_start3A_464 = arith.constant 0 : i32
        %dma_start3A_465 = arith.constant 0 : i32
        %dma_start3A_466 = tpu.memref_slice %arg5[%dma_start3A_454, %dma_start3A_464, %dma_start3A_465] : memref<2x4x128xi32, #tpu.memory_space<vmem>> -> memref<1x4x128xi32, #tpu.memory_space<vmem>>
        %dma_start3A_467 = tpu.memref_squeeze %dma_start3A_466 : memref<1x4x128xi32, #tpu.memory_space<vmem>> -> memref<4x128xi32, #tpu.memory_space<vmem>>
        %dma_start3A_468 = arith.constant 0 : i32
        %dma_start3A_469 = tpu.memref_slice %dma_start3A_467[%dma_start3A_455, %dma_start3A_468] : memref<4x128xi32, #tpu.memory_space<vmem>> -> memref<1x128xi32, #tpu.memory_space<vmem>>
        %dma_start3A_470 = tpu.memref_squeeze %dma_start3A_469 : memref<1x128xi32, #tpu.memory_space<vmem>> -> memref<128xi32, #tpu.memory_space<vmem>>
        %dma_start3A_471 = arith.constant 0 : i32
        %dma_start3A_472 = arith.constant 0 : i32
        %dma_start3A_473 = tpu.memref_slice %arg3[%dma_start3A_471, %dma_start3A_472] : memref<1000000x64xf32, #tpu.memory_space<hbm>> -> memref<1000000x64xf32, #tpu.memory_space<hbm>>
        tpu.enqueue_indirect_dma source(%dma_start3A_473 : memref<1000000x64xf32, #tpu.memory_space<hbm>>) target(%dma_start3A_463 : memref<128x64xf32, #tpu.memory_space<vmem>>) offsets(%dma_start3A_470 : memref<128xi32, #tpu.memory_space<vmem>>) semaphore(%arg10 : memref<!tpu.dma_semaphore, #tpu.memory_space<semaphore_mem>>)
        %dma_start3A_474 = arith.constant 1 : i32
        %dma_start3A_475 = arith.constant 3 : i32
        %dma_start3A_476 = arith.constant 1 : i32
        %dma_start3A_477 = arith.constant 0 : i32
        %dma_start3A_478 = arith.constant 0 : i32
        %dma_start3A_479 = tpu.memref_slice %arg6[%dma_start3A_476, %dma_start3A_477, %dma_start3A_478] : memref<2x512x64xf32, #tpu.memory_space<vmem>> -> memref<1x512x64xf32, #tpu.memory_space<vmem>>
        %dma_start3A_480 = tpu.memref_squeeze %dma_start3A_479 : memref<1x512x64xf32, #tpu.memory_space<vmem>> -> memref<512x64xf32, #tpu.memory_space<vmem>>
        %dma_start3A_481 = arith.constant 384 : i32
        %dma_start3A_482 = arith.constant 0 : i32
        %dma_start3A_483 = tpu.memref_slice %dma_start3A_480[%dma_start3A_481, %dma_start3A_482] : memref<512x64xf32, #tpu.memory_space<vmem>> -> memref<128x64xf32, #tpu.memory_space<vmem>>
        %dma_start3A_484 = arith.constant 0 : i32
        %dma_start3A_485 = arith.constant 0 : i32
        %dma_start3A_486 = tpu.memref_slice %arg5[%dma_start3A_474, %dma_start3A_484, %dma_start3A_485] : memref<2x4x128xi32, #tpu.memory_space<vmem>> -> memref<1x4x128xi32, #tpu.memory_space<vmem>>
        %dma_start3A_487 = tpu.memref_squeeze %dma_start3A_486 : memref<1x4x128xi32, #tpu.memory_space<vmem>> -> memref<4x128xi32, #tpu.memory_space<vmem>>
        %dma_start3A_488 = arith.constant 0 : i32
        %dma_start3A_489 = tpu.memref_slice %dma_start3A_487[%dma_start3A_475, %dma_start3A_488] : memref<4x128xi32, #tpu.memory_space<vmem>> -> memref<1x128xi32, #tpu.memory_space<vmem>>
        %dma_start3A_490 = tpu.memref_squeeze %dma_start3A_489 : memref<1x128xi32, #tpu.memory_space<vmem>> -> memref<128xi32, #tpu.memory_space<vmem>>
        %dma_start3A_491 = arith.constant 0 : i32
        %dma_start3A_492 = arith.constant 0 : i32
        %dma_start3A_493 = tpu.memref_slice %arg3[%dma_start3A_491, %dma_start3A_492] : memref<1000000x64xf32, #tpu.memory_space<hbm>> -> memref<1000000x64xf32, #tpu.memory_space<hbm>>
        tpu.enqueue_indirect_dma source(%dma_start3A_493 : memref<1000000x64xf32, #tpu.memory_space<hbm>>) target(%dma_start3A_483 : memref<128x64xf32, #tpu.memory_space<vmem>>) offsets(%dma_start3A_490 : memref<128xi32, #tpu.memory_space<vmem>>) semaphore(%arg10 : memref<!tpu.dma_semaphore, #tpu.memory_space<semaphore_mem>>)
      } else {
      }
      %dma_wait3A_174 = arith.constant 0 : i32
      %dma_wait3A_175 = arith.constant 0 : i32
      %dma_wait3A_176 = arith.constant 0 : i32
      %dma_wait3A_177 = arith.constant 0 : i32
      %dma_wait3A_178 = arith.constant 0 : i32
      %dma_wait3A_179 = tpu.memref_slice %arg6[%dma_wait3A_176, %dma_wait3A_177, %dma_wait3A_178] : memref<2x512x64xf32, #tpu.memory_space<vmem>> -> memref<1x512x64xf32, #tpu.memory_space<vmem>>
      %dma_wait3A_180 = tpu.memref_squeeze %dma_wait3A_179 : memref<1x512x64xf32, #tpu.memory_space<vmem>> -> memref<512x64xf32, #tpu.memory_space<vmem>>
      %dma_wait3A_181 = arith.constant 0 : i32
      %dma_wait3A_182 = arith.constant 0 : i32
      %dma_wait3A_183 = tpu.memref_slice %dma_wait3A_180[%dma_wait3A_181, %dma_wait3A_182] : memref<512x64xf32, #tpu.memory_space<vmem>> -> memref<128x64xf32, #tpu.memory_space<vmem>>
      %dma_wait3A_184 = arith.constant 0 : i32
      %dma_wait3A_185 = arith.constant 0 : i32
      %dma_wait3A_186 = tpu.memref_slice %arg5[%dma_wait3A_174, %dma_wait3A_184, %dma_wait3A_185] : memref<2x4x128xi32, #tpu.memory_space<vmem>> -> memref<1x4x128xi32, #tpu.memory_space<vmem>>
      %dma_wait3A_187 = tpu.memref_squeeze %dma_wait3A_186 : memref<1x4x128xi32, #tpu.memory_space<vmem>> -> memref<4x128xi32, #tpu.memory_space<vmem>>
      %dma_wait3A_188 = arith.constant 0 : i32
      %dma_wait3A_189 = tpu.memref_slice %dma_wait3A_187[%dma_wait3A_175, %dma_wait3A_188] : memref<4x128xi32, #tpu.memory_space<vmem>> -> memref<1x128xi32, #tpu.memory_space<vmem>>
      %dma_wait3A_190 = tpu.memref_squeeze %dma_wait3A_189 : memref<1x128xi32, #tpu.memory_space<vmem>> -> memref<128xi32, #tpu.memory_space<vmem>>
      %dma_wait3A_191 = arith.constant 0 : i32
      %dma_wait3A_192 = arith.constant 0 : i32
      %dma_wait3A_193 = tpu.memref_slice %arg3[%dma_wait3A_191, %dma_wait3A_192] : memref<1000000x64xf32, #tpu.memory_space<hbm>> -> memref<1000000x64xf32, #tpu.memory_space<hbm>>
      tpu.wait_indirect_dma semaphore(%arg9 : memref<!tpu.dma_semaphore, #tpu.memory_space<semaphore_mem>>) src(%dma_wait3A_193 : memref<1000000x64xf32, #tpu.memory_space<hbm>>) dst(%dma_wait3A_183 : memref<128x64xf32, #tpu.memory_space<vmem>>)
      %dma_wait3A_194 = arith.constant 0 : i32
      %dma_wait3A_195 = arith.constant 1 : i32
      %dma_wait3A_196 = arith.constant 0 : i32
      %dma_wait3A_197 = arith.constant 0 : i32
      %dma_wait3A_198 = arith.constant 0 : i32
      %dma_wait3A_199 = tpu.memref_slice %arg6[%dma_wait3A_196, %dma_wait3A_197, %dma_wait3A_198] : memref<2x512x64xf32, #tpu.memory_space<vmem>> -> memref<1x512x64xf32, #tpu.memory_space<vmem>>
      %dma_wait3A_200 = tpu.memref_squeeze %dma_wait3A_199 : memref<1x512x64xf32, #tpu.memory_space<vmem>> -> memref<512x64xf32, #tpu.memory_space<vmem>>
      %dma_wait3A_201 = arith.constant 128 : i32
      %dma_wait3A_202 = arith.constant 0 : i32
      %dma_wait3A_203 = tpu.memref_slice %dma_wait3A_200[%dma_wait3A_201, %dma_wait3A_202] : memref<512x64xf32, #tpu.memory_space<vmem>> -> memref<128x64xf32, #tpu.memory_space<vmem>>
      %dma_wait3A_204 = arith.constant 0 : i32
      %dma_wait3A_205 = arith.constant 0 : i32
      %dma_wait3A_206 = tpu.memref_slice %arg5[%dma_wait3A_194, %dma_wait3A_204, %dma_wait3A_205] : memref<2x4x128xi32, #tpu.memory_space<vmem>> -> memref<1x4x128xi32, #tpu.memory_space<vmem>>
      %dma_wait3A_207 = tpu.memref_squeeze %dma_wait3A_206 : memref<1x4x128xi32, #tpu.memory_space<vmem>> -> memref<4x128xi32, #tpu.memory_space<vmem>>
      %dma_wait3A_208 = arith.constant 0 : i32
      %dma_wait3A_209 = tpu.memref_slice %dma_wait3A_207[%dma_wait3A_195, %dma_wait3A_208] : memref<4x128xi32, #tpu.memory_space<vmem>> -> memref<1x128xi32, #tpu.memory_space<vmem>>
      %dma_wait3A_210 = tpu.memref_squeeze %dma_wait3A_209 : memref<1x128xi32, #tpu.memory_space<vmem>> -> memref<128xi32, #tpu.memory_space<vmem>>
      %dma_wait3A_211 = arith.constant 0 : i32
      %dma_wait3A_212 = arith.constant 0 : i32
      %dma_wait3A_213 = tpu.memref_slice %arg3[%dma_wait3A_211, %dma_wait3A_212] : memref<1000000x64xf32, #tpu.memory_space<hbm>> -> memref<1000000x64xf32, #tpu.memory_space<hbm>>
      tpu.wait_indirect_dma semaphore(%arg9 : memref<!tpu.dma_semaphore, #tpu.memory_space<semaphore_mem>>) src(%dma_wait3A_213 : memref<1000000x64xf32, #tpu.memory_space<hbm>>) dst(%dma_wait3A_203 : memref<128x64xf32, #tpu.memory_space<vmem>>)
      %dma_wait3A_214 = arith.constant 0 : i32
      %dma_wait3A_215 = arith.constant 2 : i32
      %dma_wait3A_216 = arith.constant 0 : i32
      %dma_wait3A_217 = arith.constant 0 : i32
      %dma_wait3A_218 = arith.constant 0 : i32
      %dma_wait3A_219 = tpu.memref_slice %arg6[%dma_wait3A_216, %dma_wait3A_217, %dma_wait3A_218] : memref<2x512x64xf32, #tpu.memory_space<vmem>> -> memref<1x512x64xf32, #tpu.memory_space<vmem>>
      %dma_wait3A_220 = tpu.memref_squeeze %dma_wait3A_219 : memref<1x512x64xf32, #tpu.memory_space<vmem>> -> memref<512x64xf32, #tpu.memory_space<vmem>>
      %dma_wait3A_221 = arith.constant 256 : i32
      %dma_wait3A_222 = arith.constant 0 : i32
      %dma_wait3A_223 = tpu.memref_slice %dma_wait3A_220[%dma_wait3A_221, %dma_wait3A_222] : memref<512x64xf32, #tpu.memory_space<vmem>> -> memref<128x64xf32, #tpu.memory_space<vmem>>
      %dma_wait3A_224 = arith.constant 0 : i32
      %dma_wait3A_225 = arith.constant 0 : i32
      %dma_wait3A_226 = tpu.memref_slice %arg5[%dma_wait3A_214, %dma_wait3A_224, %dma_wait3A_225] : memref<2x4x128xi32, #tpu.memory_space<vmem>> -> memref<1x4x128xi32, #tpu.memory_space<vmem>>
      %dma_wait3A_227 = tpu.memref_squeeze %dma_wait3A_226 : memref<1x4x128xi32, #tpu.memory_space<vmem>> -> memref<4x128xi32, #tpu.memory_space<vmem>>
      %dma_wait3A_228 = arith.constant 0 : i32
      %dma_wait3A_229 = tpu.memref_slice %dma_wait3A_227[%dma_wait3A_215, %dma_wait3A_228] : memref<4x128xi32, #tpu.memory_space<vmem>> -> memref<1x128xi32, #tpu.memory_space<vmem>>
      %dma_wait3A_230 = tpu.memref_squeeze %dma_wait3A_229 : memref<1x128xi32, #tpu.memory_space<vmem>> -> memref<128xi32, #tpu.memory_space<vmem>>
      %dma_wait3A_231 = arith.constant 0 : i32
      %dma_wait3A_232 = arith.constant 0 : i32
      %dma_wait3A_233 = tpu.memref_slice %arg3[%dma_wait3A_231, %dma_wait3A_232] : memref<1000000x64xf32, #tpu.memory_space<hbm>> -> memref<1000000x64xf32, #tpu.memory_space<hbm>>
      tpu.wait_indirect_dma semaphore(%arg9 : memref<!tpu.dma_semaphore, #tpu.memory_space<semaphore_mem>>) src(%dma_wait3A_233 : memref<1000000x64xf32, #tpu.memory_space<hbm>>) dst(%dma_wait3A_223 : memref<128x64xf32, #tpu.memory_space<vmem>>)
      %dma_wait3A_234 = arith.constant 0 : i32
      %dma_wait3A_235 = arith.constant 3 : i32
      %dma_wait3A_236 = arith.constant 0 : i32
      %dma_wait3A_237 = arith.constant 0 : i32
      %dma_wait3A_238 = arith.constant 0 : i32
      %dma_wait3A_239 = tpu.memref_slice %arg6[%dma_wait3A_236, %dma_wait3A_237, %dma_wait3A_238] : memref<2x512x64xf32, #tpu.memory_space<vmem>> -> memref<1x512x64xf32, #tpu.memory_space<vmem>>
      %dma_wait3A_240 = tpu.memref_squeeze %dma_wait3A_239 : memref<1x512x64xf32, #tpu.memory_space<vmem>> -> memref<512x64xf32, #tpu.memory_space<vmem>>
      %dma_wait3A_241 = arith.constant 384 : i32
      %dma_wait3A_242 = arith.constant 0 : i32
      %dma_wait3A_243 = tpu.memref_slice %dma_wait3A_240[%dma_wait3A_241, %dma_wait3A_242] : memref<512x64xf32, #tpu.memory_space<vmem>> -> memref<128x64xf32, #tpu.memory_space<vmem>>
      %dma_wait3A_244 = arith.constant 0 : i32
      %dma_wait3A_245 = arith.constant 0 : i32
      %dma_wait3A_246 = tpu.memref_slice %arg5[%dma_wait3A_234, %dma_wait3A_244, %dma_wait3A_245] : memref<2x4x128xi32, #tpu.memory_space<vmem>> -> memref<1x4x128xi32, #tpu.memory_space<vmem>>
      %dma_wait3A_247 = tpu.memref_squeeze %dma_wait3A_246 : memref<1x4x128xi32, #tpu.memory_space<vmem>> -> memref<4x128xi32, #tpu.memory_space<vmem>>
      %dma_wait3A_248 = arith.constant 0 : i32
      %dma_wait3A_249 = tpu.memref_slice %dma_wait3A_247[%dma_wait3A_235, %dma_wait3A_248] : memref<4x128xi32, #tpu.memory_space<vmem>> -> memref<1x128xi32, #tpu.memory_space<vmem>>
      %dma_wait3A_250 = tpu.memref_squeeze %dma_wait3A_249 : memref<1x128xi32, #tpu.memory_space<vmem>> -> memref<128xi32, #tpu.memory_space<vmem>>
      %dma_wait3A_251 = arith.constant 0 : i32
      %dma_wait3A_252 = arith.constant 0 : i32
      %dma_wait3A_253 = tpu.memref_slice %arg3[%dma_wait3A_251, %dma_wait3A_252] : memref<1000000x64xf32, #tpu.memory_space<hbm>> -> memref<1000000x64xf32, #tpu.memory_space<hbm>>
      tpu.wait_indirect_dma semaphore(%arg9 : memref<!tpu.dma_semaphore, #tpu.memory_space<semaphore_mem>>) src(%dma_wait3A_253 : memref<1000000x64xf32, #tpu.memory_space<hbm>>) dst(%dma_wait3A_243 : memref<128x64xf32, #tpu.memory_space<vmem>>)
      %add3A_254 = arith.constant 2 : i32
      %add3A_255 = arith.addi %add3A_169, %add3A_254 : i32
      %lt3A_256 = arith.constant 50 : i32
      %lt3A_257 = arith.cmpi slt, %add3A_255, %lt3A_256 : i32
      %convert_element_type3A_258 = arith.extui %lt3A_257 : i1 to i32
      %cond3A_259 = arith.constant 0 : i32
      %cond3A_260 = arith.cmpi ne, %convert_element_type3A_258, %cond3A_259 : i32
      scf.if %cond3A_260 {
        %add3A_392 = arith.constant 2 : i32
        %add3A_393 = arith.addi %add3A_169, %add3A_392 : i32
        %mul3A_394 = arith.constant 4 : i32
        %mul3A_395 = arith.muli %add3A_393, %mul3A_394 : i32
        %add3A_396 = arith.addi %mul3A_4, %mul3A_395 : i32
        %dma_start3A_397 = arith.constant 0 : i32
        %dma_start3A_398 = arith.constant 0 : i32
        %dma_start3A_399 = arith.constant 0 : i32
        %dma_start3A_400 = tpu.memref_slice %arg5[%dma_start3A_397, %dma_start3A_398, %dma_start3A_399] : memref<2x4x128xi32, #tpu.memory_space<vmem>> -> memref<1x4x128xi32, #tpu.memory_space<vmem>>
        %dma_start3A_401 = tpu.memref_squeeze %dma_start3A_400 : memref<1x4x128xi32, #tpu.memory_space<vmem>> -> memref<4x128xi32, #tpu.memory_space<vmem>>
        %dma_start3A_402 = arith.constant 0 : i32
        %dma_start3A_403 = tpu.memref_slice %arg2[%add3A_396, %dma_start3A_402] : memref<6400x128xi32, #tpu.memory_space<hbm>> -> memref<4x128xi32, #tpu.memory_space<hbm>>
        %dma_start3A_404 = arith.constant 0 : i32
        %dma_start3A_405 = arith.constant 0 : i32
        %dma_start3A_406 = tpu.memref_slice %arg5[%dma_start3A_397, %dma_start3A_404, %dma_start3A_405] : memref<2x4x128xi32, #tpu.memory_space<vmem>> -> memref<1x4x128xi32, #tpu.memory_space<vmem>>
        %dma_start3A_407 = tpu.memref_squeeze %dma_start3A_406 : memref<1x4x128xi32, #tpu.memory_space<vmem>> -> memref<4x128xi32, #tpu.memory_space<vmem>>
        %dma_start3A_408 = arith.constant 0 : i32
        %dma_start3A_409 = tpu.memref_slice %arg2[%add3A_396, %dma_start3A_408] : memref<6400x128xi32, #tpu.memory_space<hbm>> -> memref<4x128xi32, #tpu.memory_space<hbm>>
        tpu.enqueue_dma source(%dma_start3A_409 : memref<4x128xi32, #tpu.memory_space<hbm>>) target(%dma_start3A_407 : memref<4x128xi32, #tpu.memory_space<vmem>>) target_semaphore(%arg7 : memref<!tpu.dma_semaphore, #tpu.memory_space<semaphore_mem>>)
      } else {
      }
      %mul3A_261 = arith.constant 512 : i32
      %mul3A_262 = arith.muli %add3A_169, %mul3A_261 : i32
      %add3A_263 = arith.addi %mul3A_2, %mul3A_262 : i32
      %dma_start3A_264 = arith.constant 0 : i32
      %dma_start3A_265 = arith.constant 0 : i32
      %dma_start3A_266 = arith.constant 0 : i32
      %dma_start3A_267 = tpu.memref_slice %arg6[%dma_start3A_264, %dma_start3A_265, %dma_start3A_266] : memref<2x512x64xf32, #tpu.memory_space<vmem>> -> memref<1x512x64xf32, #tpu.memory_space<vmem>>
      %dma_start3A_268 = tpu.memref_squeeze %dma_start3A_267 : memref<1x512x64xf32, #tpu.memory_space<vmem>> -> memref<512x64xf32, #tpu.memory_space<vmem>>
      %dma_start3A_269 = arith.constant 0 : i32
      %dma_start3A_270 = tpu.memref_slice %arg4[%add3A_263, %dma_start3A_269] : memref<819200x64xf32, #tpu.memory_space<hbm>> -> memref<512x64xf32, #tpu.memory_space<hbm>>
      %dma_start3A_271 = arith.constant 0 : i32
      %dma_start3A_272 = tpu.memref_slice %arg4[%add3A_263, %dma_start3A_271] : memref<819200x64xf32, #tpu.memory_space<hbm>> -> memref<512x64xf32, #tpu.memory_space<hbm>>
      %dma_start3A_273 = arith.constant 0 : i32
      %dma_start3A_274 = arith.constant 0 : i32
      %dma_start3A_275 = tpu.memref_slice %arg6[%dma_start3A_264, %dma_start3A_273, %dma_start3A_274] : memref<2x512x64xf32, #tpu.memory_space<vmem>> -> memref<1x512x64xf32, #tpu.memory_space<vmem>>
      %dma_start3A_276 = tpu.memref_squeeze %dma_start3A_275 : memref<1x512x64xf32, #tpu.memory_space<vmem>> -> memref<512x64xf32, #tpu.memory_space<vmem>>
      tpu.enqueue_dma source(%dma_start3A_276 : memref<512x64xf32, #tpu.memory_space<vmem>>) target(%dma_start3A_272 : memref<512x64xf32, #tpu.memory_space<hbm>>) target_semaphore(%arg11 : memref<!tpu.dma_semaphore, #tpu.memory_space<semaphore_mem>>)
      %mul3A_277 = arith.constant 2 : i32
      %mul3A_278 = arith.muli %mul3A_277, %scan3A_164 : i32
      %add3A_279 = arith.constant 1 : i32
      %add3A_280 = arith.addi %mul3A_278, %add3A_279 : i32
      %add3A_281 = arith.constant 1 : i32
      %add3A_282 = arith.addi %add3A_280, %add3A_281 : i32
      %lt3A_283 = arith.constant 50 : i32
      %lt3A_284 = arith.cmpi slt, %add3A_282, %lt3A_283 : i32
      %convert_element_type3A_285 = arith.extui %lt3A_284 : i1 to i32
      %cond3A_286 = arith.constant 0 : i32
      %cond3A_287 = arith.cmpi ne, %convert_element_type3A_285, %cond3A_286 : i32
      scf.if %cond3A_287 {
        %add3A_392 = arith.constant 1 : i32
        %add3A_393 = arith.addi %add3A_280, %add3A_392 : i32
        %mul3A_394 = arith.constant 4 : i32
        %mul3A_395 = arith.muli %add3A_393, %mul3A_394 : i32
        %add3A_396 = arith.addi %mul3A_4, %mul3A_395 : i32
        %dma_wait3A_397 = arith.constant 0 : i32
        %dma_wait3A_398 = arith.constant 0 : i32
        %dma_wait3A_399 = arith.constant 0 : i32
        %dma_wait3A_400 = tpu.memref_slice %arg5[%dma_wait3A_397, %dma_wait3A_398, %dma_wait3A_399] : memref<2x4x128xi32, #tpu.memory_space<vmem>> -> memref<1x4x128xi32, #tpu.memory_space<vmem>>
        %dma_wait3A_401 = tpu.memref_squeeze %dma_wait3A_400 : memref<1x4x128xi32, #tpu.memory_space<vmem>> -> memref<4x128xi32, #tpu.memory_space<vmem>>
        %dma_wait3A_402 = arith.constant 0 : i32
        %dma_wait3A_403 = tpu.memref_slice %arg2[%add3A_396, %dma_wait3A_402] : memref<6400x128xi32, #tpu.memory_space<hbm>> -> memref<4x128xi32, #tpu.memory_space<hbm>>
        %dma_wait3A_404 = arith.constant 0 : i32
        %dma_wait3A_405 = arith.constant 0 : i32
        %dma_wait3A_406 = tpu.memref_slice %arg5[%dma_wait3A_397, %dma_wait3A_404, %dma_wait3A_405] : memref<2x4x128xi32, #tpu.memory_space<vmem>> -> memref<1x4x128xi32, #tpu.memory_space<vmem>>
        %dma_wait3A_407 = tpu.memref_squeeze %dma_wait3A_406 : memref<1x4x128xi32, #tpu.memory_space<vmem>> -> memref<4x128xi32, #tpu.memory_space<vmem>>
        %dma_wait3A_408 = arith.constant 0 : i32
        %dma_wait3A_409 = tpu.memref_slice %arg2[%add3A_396, %dma_wait3A_408] : memref<6400x128xi32, #tpu.memory_space<hbm>> -> memref<4x128xi32, #tpu.memory_space<hbm>>
        tpu.wait_dma2 semaphore(%arg7 : memref<!tpu.dma_semaphore, #tpu.memory_space<semaphore_mem>>) src(%dma_wait3A_409 : memref<4x128xi32, #tpu.memory_space<hbm>>) dst(%dma_wait3A_407 : memref<4x128xi32, #tpu.memory_space<vmem>>)
        %ge3A = arith.constant 1 : i32
        %ge3A_410 = arith.cmpi sge, %add3A_280, %ge3A : i32
        %convert_element_type3A_411 = arith.extui %ge3A_410 : i1 to i32
        %cond3A_412 = arith.constant 0 : i32
        %cond3A_413 = arith.cmpi ne, %convert_element_type3A_411, %cond3A_412 : i32
        scf.if %cond3A_413 {
          %sub3A = arith.constant 1 : i32
          %sub3A_494 = arith.subi %add3A_280, %sub3A : i32
          %mul3A_495 = arith.constant 512 : i32
          %mul3A_496 = arith.muli %sub3A_494, %mul3A_495 : i32
          %add3A_497 = arith.addi %mul3A_2, %mul3A_496 : i32
          %dma_wait3A_498 = arith.constant 0 : i32
          %dma_wait3A_499 = arith.constant 0 : i32
          %dma_wait3A_500 = arith.constant 0 : i32
          %dma_wait3A_501 = tpu.memref_slice %arg6[%dma_wait3A_498, %dma_wait3A_499, %dma_wait3A_500] : memref<2x512x64xf32, #tpu.memory_space<vmem>> -> memref<1x512x64xf32, #tpu.memory_space<vmem>>
          %dma_wait3A_502 = tpu.memref_squeeze %dma_wait3A_501 : memref<1x512x64xf32, #tpu.memory_space<vmem>> -> memref<512x64xf32, #tpu.memory_space<vmem>>
          %dma_wait3A_503 = arith.constant 0 : i32
          %dma_wait3A_504 = tpu.memref_slice %arg4[%add3A_497, %dma_wait3A_503] : memref<819200x64xf32, #tpu.memory_space<hbm>> -> memref<512x64xf32, #tpu.memory_space<hbm>>
          %dma_wait3A_505 = arith.constant 0 : i32
          %dma_wait3A_506 = tpu.memref_slice %arg4[%add3A_497, %dma_wait3A_505] : memref<819200x64xf32, #tpu.memory_space<hbm>> -> memref<512x64xf32, #tpu.memory_space<hbm>>
          %dma_wait3A_507 = arith.constant 0 : i32
          %dma_wait3A_508 = arith.constant 0 : i32
          %dma_wait3A_509 = tpu.memref_slice %arg6[%dma_wait3A_498, %dma_wait3A_507, %dma_wait3A_508] : memref<2x512x64xf32, #tpu.memory_space<vmem>> -> memref<1x512x64xf32, #tpu.memory_space<vmem>>
          %dma_wait3A_510 = tpu.memref_squeeze %dma_wait3A_509 : memref<1x512x64xf32, #tpu.memory_space<vmem>> -> memref<512x64xf32, #tpu.memory_space<vmem>>
          tpu.wait_dma2 semaphore(%arg11 : memref<!tpu.dma_semaphore, #tpu.memory_space<semaphore_mem>>) src(%dma_wait3A_510 : memref<512x64xf32, #tpu.memory_space<vmem>>) dst(%dma_wait3A_506 : memref<512x64xf32, #tpu.memory_space<hbm>>)
        } else {
        }
        %dma_start3A_414 = arith.constant 0 : i32
        %dma_start3A_415 = arith.constant 0 : i32
        %dma_start3A_416 = arith.constant 0 : i32
        %dma_start3A_417 = arith.constant 0 : i32
        %dma_start3A_418 = arith.constant 0 : i32
        %dma_start3A_419 = tpu.memref_slice %arg6[%dma_start3A_416, %dma_start3A_417, %dma_start3A_418] : memref<2x512x64xf32, #tpu.memory_space<vmem>> -> memref<1x512x64xf32, #tpu.memory_space<vmem>>
        %dma_start3A_420 = tpu.memref_squeeze %dma_start3A_419 : memref<1x512x64xf32, #tpu.memory_space<vmem>> -> memref<512x64xf32, #tpu.memory_space<vmem>>
        %dma_start3A_421 = arith.constant 0 : i32
        %dma_start3A_422 = arith.constant 0 : i32
        %dma_start3A_423 = tpu.memref_slice %dma_start3A_420[%dma_start3A_421, %dma_start3A_422] : memref<512x64xf32, #tpu.memory_space<vmem>> -> memref<128x64xf32, #tpu.memory_space<vmem>>
        %dma_start3A_424 = arith.constant 0 : i32
        %dma_start3A_425 = arith.constant 0 : i32
        %dma_start3A_426 = tpu.memref_slice %arg5[%dma_start3A_414, %dma_start3A_424, %dma_start3A_425] : memref<2x4x128xi32, #tpu.memory_space<vmem>> -> memref<1x4x128xi32, #tpu.memory_space<vmem>>
        %dma_start3A_427 = tpu.memref_squeeze %dma_start3A_426 : memref<1x4x128xi32, #tpu.memory_space<vmem>> -> memref<4x128xi32, #tpu.memory_space<vmem>>
        %dma_start3A_428 = arith.constant 0 : i32
        %dma_start3A_429 = tpu.memref_slice %dma_start3A_427[%dma_start3A_415, %dma_start3A_428] : memref<4x128xi32, #tpu.memory_space<vmem>> -> memref<1x128xi32, #tpu.memory_space<vmem>>
        %dma_start3A_430 = tpu.memref_squeeze %dma_start3A_429 : memref<1x128xi32, #tpu.memory_space<vmem>> -> memref<128xi32, #tpu.memory_space<vmem>>
        %dma_start3A_431 = arith.constant 0 : i32
        %dma_start3A_432 = arith.constant 0 : i32
        %dma_start3A_433 = tpu.memref_slice %arg3[%dma_start3A_431, %dma_start3A_432] : memref<1000000x64xf32, #tpu.memory_space<hbm>> -> memref<1000000x64xf32, #tpu.memory_space<hbm>>
        tpu.enqueue_indirect_dma source(%dma_start3A_433 : memref<1000000x64xf32, #tpu.memory_space<hbm>>) target(%dma_start3A_423 : memref<128x64xf32, #tpu.memory_space<vmem>>) offsets(%dma_start3A_430 : memref<128xi32, #tpu.memory_space<vmem>>) semaphore(%arg9 : memref<!tpu.dma_semaphore, #tpu.memory_space<semaphore_mem>>)
        %dma_start3A_434 = arith.constant 0 : i32
        %dma_start3A_435 = arith.constant 1 : i32
        %dma_start3A_436 = arith.constant 0 : i32
        %dma_start3A_437 = arith.constant 0 : i32
        %dma_start3A_438 = arith.constant 0 : i32
        %dma_start3A_439 = tpu.memref_slice %arg6[%dma_start3A_436, %dma_start3A_437, %dma_start3A_438] : memref<2x512x64xf32, #tpu.memory_space<vmem>> -> memref<1x512x64xf32, #tpu.memory_space<vmem>>
        %dma_start3A_440 = tpu.memref_squeeze %dma_start3A_439 : memref<1x512x64xf32, #tpu.memory_space<vmem>> -> memref<512x64xf32, #tpu.memory_space<vmem>>
        %dma_start3A_441 = arith.constant 128 : i32
        %dma_start3A_442 = arith.constant 0 : i32
        %dma_start3A_443 = tpu.memref_slice %dma_start3A_440[%dma_start3A_441, %dma_start3A_442] : memref<512x64xf32, #tpu.memory_space<vmem>> -> memref<128x64xf32, #tpu.memory_space<vmem>>
        %dma_start3A_444 = arith.constant 0 : i32
        %dma_start3A_445 = arith.constant 0 : i32
        %dma_start3A_446 = tpu.memref_slice %arg5[%dma_start3A_434, %dma_start3A_444, %dma_start3A_445] : memref<2x4x128xi32, #tpu.memory_space<vmem>> -> memref<1x4x128xi32, #tpu.memory_space<vmem>>
        %dma_start3A_447 = tpu.memref_squeeze %dma_start3A_446 : memref<1x4x128xi32, #tpu.memory_space<vmem>> -> memref<4x128xi32, #tpu.memory_space<vmem>>
        %dma_start3A_448 = arith.constant 0 : i32
        %dma_start3A_449 = tpu.memref_slice %dma_start3A_447[%dma_start3A_435, %dma_start3A_448] : memref<4x128xi32, #tpu.memory_space<vmem>> -> memref<1x128xi32, #tpu.memory_space<vmem>>
        %dma_start3A_450 = tpu.memref_squeeze %dma_start3A_449 : memref<1x128xi32, #tpu.memory_space<vmem>> -> memref<128xi32, #tpu.memory_space<vmem>>
        %dma_start3A_451 = arith.constant 0 : i32
        %dma_start3A_452 = arith.constant 0 : i32
        %dma_start3A_453 = tpu.memref_slice %arg3[%dma_start3A_451, %dma_start3A_452] : memref<1000000x64xf32, #tpu.memory_space<hbm>> -> memref<1000000x64xf32, #tpu.memory_space<hbm>>
        tpu.enqueue_indirect_dma source(%dma_start3A_453 : memref<1000000x64xf32, #tpu.memory_space<hbm>>) target(%dma_start3A_443 : memref<128x64xf32, #tpu.memory_space<vmem>>) offsets(%dma_start3A_450 : memref<128xi32, #tpu.memory_space<vmem>>) semaphore(%arg9 : memref<!tpu.dma_semaphore, #tpu.memory_space<semaphore_mem>>)
        %dma_start3A_454 = arith.constant 0 : i32
        %dma_start3A_455 = arith.constant 2 : i32
        %dma_start3A_456 = arith.constant 0 : i32
        %dma_start3A_457 = arith.constant 0 : i32
        %dma_start3A_458 = arith.constant 0 : i32
        %dma_start3A_459 = tpu.memref_slice %arg6[%dma_start3A_456, %dma_start3A_457, %dma_start3A_458] : memref<2x512x64xf32, #tpu.memory_space<vmem>> -> memref<1x512x64xf32, #tpu.memory_space<vmem>>
        %dma_start3A_460 = tpu.memref_squeeze %dma_start3A_459 : memref<1x512x64xf32, #tpu.memory_space<vmem>> -> memref<512x64xf32, #tpu.memory_space<vmem>>
        %dma_start3A_461 = arith.constant 256 : i32
        %dma_start3A_462 = arith.constant 0 : i32
        %dma_start3A_463 = tpu.memref_slice %dma_start3A_460[%dma_start3A_461, %dma_start3A_462] : memref<512x64xf32, #tpu.memory_space<vmem>> -> memref<128x64xf32, #tpu.memory_space<vmem>>
        %dma_start3A_464 = arith.constant 0 : i32
        %dma_start3A_465 = arith.constant 0 : i32
        %dma_start3A_466 = tpu.memref_slice %arg5[%dma_start3A_454, %dma_start3A_464, %dma_start3A_465] : memref<2x4x128xi32, #tpu.memory_space<vmem>> -> memref<1x4x128xi32, #tpu.memory_space<vmem>>
        %dma_start3A_467 = tpu.memref_squeeze %dma_start3A_466 : memref<1x4x128xi32, #tpu.memory_space<vmem>> -> memref<4x128xi32, #tpu.memory_space<vmem>>
        %dma_start3A_468 = arith.constant 0 : i32
        %dma_start3A_469 = tpu.memref_slice %dma_start3A_467[%dma_start3A_455, %dma_start3A_468] : memref<4x128xi32, #tpu.memory_space<vmem>> -> memref<1x128xi32, #tpu.memory_space<vmem>>
        %dma_start3A_470 = tpu.memref_squeeze %dma_start3A_469 : memref<1x128xi32, #tpu.memory_space<vmem>> -> memref<128xi32, #tpu.memory_space<vmem>>
        %dma_start3A_471 = arith.constant 0 : i32
        %dma_start3A_472 = arith.constant 0 : i32
        %dma_start3A_473 = tpu.memref_slice %arg3[%dma_start3A_471, %dma_start3A_472] : memref<1000000x64xf32, #tpu.memory_space<hbm>> -> memref<1000000x64xf32, #tpu.memory_space<hbm>>
        tpu.enqueue_indirect_dma source(%dma_start3A_473 : memref<1000000x64xf32, #tpu.memory_space<hbm>>) target(%dma_start3A_463 : memref<128x64xf32, #tpu.memory_space<vmem>>) offsets(%dma_start3A_470 : memref<128xi32, #tpu.memory_space<vmem>>) semaphore(%arg9 : memref<!tpu.dma_semaphore, #tpu.memory_space<semaphore_mem>>)
        %dma_start3A_474 = arith.constant 0 : i32
        %dma_start3A_475 = arith.constant 3 : i32
        %dma_start3A_476 = arith.constant 0 : i32
        %dma_start3A_477 = arith.constant 0 : i32
        %dma_start3A_478 = arith.constant 0 : i32
        %dma_start3A_479 = tpu.memref_slice %arg6[%dma_start3A_476, %dma_start3A_477, %dma_start3A_478] : memref<2x512x64xf32, #tpu.memory_space<vmem>> -> memref<1x512x64xf32, #tpu.memory_space<vmem>>
        %dma_start3A_480 = tpu.memref_squeeze %dma_start3A_479 : memref<1x512x64xf32, #tpu.memory_space<vmem>> -> memref<512x64xf32, #tpu.memory_space<vmem>>
        %dma_start3A_481 = arith.constant 384 : i32
        %dma_start3A_482 = arith.constant 0 : i32
        %dma_start3A_483 = tpu.memref_slice %dma_start3A_480[%dma_start3A_481, %dma_start3A_482] : memref<512x64xf32, #tpu.memory_space<vmem>> -> memref<128x64xf32, #tpu.memory_space<vmem>>
        %dma_start3A_484 = arith.constant 0 : i32
        %dma_start3A_485 = arith.constant 0 : i32
        %dma_start3A_486 = tpu.memref_slice %arg5[%dma_start3A_474, %dma_start3A_484, %dma_start3A_485] : memref<2x4x128xi32, #tpu.memory_space<vmem>> -> memref<1x4x128xi32, #tpu.memory_space<vmem>>
        %dma_start3A_487 = tpu.memref_squeeze %dma_start3A_486 : memref<1x4x128xi32, #tpu.memory_space<vmem>> -> memref<4x128xi32, #tpu.memory_space<vmem>>
        %dma_start3A_488 = arith.constant 0 : i32
        %dma_start3A_489 = tpu.memref_slice %dma_start3A_487[%dma_start3A_475, %dma_start3A_488] : memref<4x128xi32, #tpu.memory_space<vmem>> -> memref<1x128xi32, #tpu.memory_space<vmem>>
        %dma_start3A_490 = tpu.memref_squeeze %dma_start3A_489 : memref<1x128xi32, #tpu.memory_space<vmem>> -> memref<128xi32, #tpu.memory_space<vmem>>
        %dma_start3A_491 = arith.constant 0 : i32
        %dma_start3A_492 = arith.constant 0 : i32
        %dma_start3A_493 = tpu.memref_slice %arg3[%dma_start3A_491, %dma_start3A_492] : memref<1000000x64xf32, #tpu.memory_space<hbm>> -> memref<1000000x64xf32, #tpu.memory_space<hbm>>
        tpu.enqueue_indirect_dma source(%dma_start3A_493 : memref<1000000x64xf32, #tpu.memory_space<hbm>>) target(%dma_start3A_483 : memref<128x64xf32, #tpu.memory_space<vmem>>) offsets(%dma_start3A_490 : memref<128xi32, #tpu.memory_space<vmem>>) semaphore(%arg9 : memref<!tpu.dma_semaphore, #tpu.memory_space<semaphore_mem>>)
      } else {
      }
      %dma_wait3A_288 = arith.constant 1 : i32
      %dma_wait3A_289 = arith.constant 0 : i32
      %dma_wait3A_290 = arith.constant 1 : i32
      %dma_wait3A_291 = arith.constant 0 : i32
      %dma_wait3A_292 = arith.constant 0 : i32
      %dma_wait3A_293 = tpu.memref_slice %arg6[%dma_wait3A_290, %dma_wait3A_291, %dma_wait3A_292] : memref<2x512x64xf32, #tpu.memory_space<vmem>> -> memref<1x512x64xf32, #tpu.memory_space<vmem>>
      %dma_wait3A_294 = tpu.memref_squeeze %dma_wait3A_293 : memref<1x512x64xf32, #tpu.memory_space<vmem>> -> memref<512x64xf32, #tpu.memory_space<vmem>>
      %dma_wait3A_295 = arith.constant 0 : i32
      %dma_wait3A_296 = arith.constant 0 : i32
      %dma_wait3A_297 = tpu.memref_slice %dma_wait3A_294[%dma_wait3A_295, %dma_wait3A_296] : memref<512x64xf32, #tpu.memory_space<vmem>> -> memref<128x64xf32, #tpu.memory_space<vmem>>
      %dma_wait3A_298 = arith.constant 0 : i32
      %dma_wait3A_299 = arith.constant 0 : i32
      %dma_wait3A_300 = tpu.memref_slice %arg5[%dma_wait3A_288, %dma_wait3A_298, %dma_wait3A_299] : memref<2x4x128xi32, #tpu.memory_space<vmem>> -> memref<1x4x128xi32, #tpu.memory_space<vmem>>
      %dma_wait3A_301 = tpu.memref_squeeze %dma_wait3A_300 : memref<1x4x128xi32, #tpu.memory_space<vmem>> -> memref<4x128xi32, #tpu.memory_space<vmem>>
      %dma_wait3A_302 = arith.constant 0 : i32
      %dma_wait3A_303 = tpu.memref_slice %dma_wait3A_301[%dma_wait3A_289, %dma_wait3A_302] : memref<4x128xi32, #tpu.memory_space<vmem>> -> memref<1x128xi32, #tpu.memory_space<vmem>>
      %dma_wait3A_304 = tpu.memref_squeeze %dma_wait3A_303 : memref<1x128xi32, #tpu.memory_space<vmem>> -> memref<128xi32, #tpu.memory_space<vmem>>
      %dma_wait3A_305 = arith.constant 0 : i32
      %dma_wait3A_306 = arith.constant 0 : i32
      %dma_wait3A_307 = tpu.memref_slice %arg3[%dma_wait3A_305, %dma_wait3A_306] : memref<1000000x64xf32, #tpu.memory_space<hbm>> -> memref<1000000x64xf32, #tpu.memory_space<hbm>>
      tpu.wait_indirect_dma semaphore(%arg10 : memref<!tpu.dma_semaphore, #tpu.memory_space<semaphore_mem>>) src(%dma_wait3A_307 : memref<1000000x64xf32, #tpu.memory_space<hbm>>) dst(%dma_wait3A_297 : memref<128x64xf32, #tpu.memory_space<vmem>>)
      %dma_wait3A_308 = arith.constant 1 : i32
      %dma_wait3A_309 = arith.constant 1 : i32
      %dma_wait3A_310 = arith.constant 1 : i32
      %dma_wait3A_311 = arith.constant 0 : i32
      %dma_wait3A_312 = arith.constant 0 : i32
      %dma_wait3A_313 = tpu.memref_slice %arg6[%dma_wait3A_310, %dma_wait3A_311, %dma_wait3A_312] : memref<2x512x64xf32, #tpu.memory_space<vmem>> -> memref<1x512x64xf32, #tpu.memory_space<vmem>>
      %dma_wait3A_314 = tpu.memref_squeeze %dma_wait3A_313 : memref<1x512x64xf32, #tpu.memory_space<vmem>> -> memref<512x64xf32, #tpu.memory_space<vmem>>
      %dma_wait3A_315 = arith.constant 128 : i32
      %dma_wait3A_316 = arith.constant 0 : i32
      %dma_wait3A_317 = tpu.memref_slice %dma_wait3A_314[%dma_wait3A_315, %dma_wait3A_316] : memref<512x64xf32, #tpu.memory_space<vmem>> -> memref<128x64xf32, #tpu.memory_space<vmem>>
      %dma_wait3A_318 = arith.constant 0 : i32
      %dma_wait3A_319 = arith.constant 0 : i32
      %dma_wait3A_320 = tpu.memref_slice %arg5[%dma_wait3A_308, %dma_wait3A_318, %dma_wait3A_319] : memref<2x4x128xi32, #tpu.memory_space<vmem>> -> memref<1x4x128xi32, #tpu.memory_space<vmem>>
      %dma_wait3A_321 = tpu.memref_squeeze %dma_wait3A_320 : memref<1x4x128xi32, #tpu.memory_space<vmem>> -> memref<4x128xi32, #tpu.memory_space<vmem>>
      %dma_wait3A_322 = arith.constant 0 : i32
      %dma_wait3A_323 = tpu.memref_slice %dma_wait3A_321[%dma_wait3A_309, %dma_wait3A_322] : memref<4x128xi32, #tpu.memory_space<vmem>> -> memref<1x128xi32, #tpu.memory_space<vmem>>
      %dma_wait3A_324 = tpu.memref_squeeze %dma_wait3A_323 : memref<1x128xi32, #tpu.memory_space<vmem>> -> memref<128xi32, #tpu.memory_space<vmem>>
      %dma_wait3A_325 = arith.constant 0 : i32
      %dma_wait3A_326 = arith.constant 0 : i32
      %dma_wait3A_327 = tpu.memref_slice %arg3[%dma_wait3A_325, %dma_wait3A_326] : memref<1000000x64xf32, #tpu.memory_space<hbm>> -> memref<1000000x64xf32, #tpu.memory_space<hbm>>
      tpu.wait_indirect_dma semaphore(%arg10 : memref<!tpu.dma_semaphore, #tpu.memory_space<semaphore_mem>>) src(%dma_wait3A_327 : memref<1000000x64xf32, #tpu.memory_space<hbm>>) dst(%dma_wait3A_317 : memref<128x64xf32, #tpu.memory_space<vmem>>)
      %dma_wait3A_328 = arith.constant 1 : i32
      %dma_wait3A_329 = arith.constant 2 : i32
      %dma_wait3A_330 = arith.constant 1 : i32
      %dma_wait3A_331 = arith.constant 0 : i32
      %dma_wait3A_332 = arith.constant 0 : i32
      %dma_wait3A_333 = tpu.memref_slice %arg6[%dma_wait3A_330, %dma_wait3A_331, %dma_wait3A_332] : memref<2x512x64xf32, #tpu.memory_space<vmem>> -> memref<1x512x64xf32, #tpu.memory_space<vmem>>
      %dma_wait3A_334 = tpu.memref_squeeze %dma_wait3A_333 : memref<1x512x64xf32, #tpu.memory_space<vmem>> -> memref<512x64xf32, #tpu.memory_space<vmem>>
      %dma_wait3A_335 = arith.constant 256 : i32
      %dma_wait3A_336 = arith.constant 0 : i32
      %dma_wait3A_337 = tpu.memref_slice %dma_wait3A_334[%dma_wait3A_335, %dma_wait3A_336] : memref<512x64xf32, #tpu.memory_space<vmem>> -> memref<128x64xf32, #tpu.memory_space<vmem>>
      %dma_wait3A_338 = arith.constant 0 : i32
      %dma_wait3A_339 = arith.constant 0 : i32
      %dma_wait3A_340 = tpu.memref_slice %arg5[%dma_wait3A_328, %dma_wait3A_338, %dma_wait3A_339] : memref<2x4x128xi32, #tpu.memory_space<vmem>> -> memref<1x4x128xi32, #tpu.memory_space<vmem>>
      %dma_wait3A_341 = tpu.memref_squeeze %dma_wait3A_340 : memref<1x4x128xi32, #tpu.memory_space<vmem>> -> memref<4x128xi32, #tpu.memory_space<vmem>>
      %dma_wait3A_342 = arith.constant 0 : i32
      %dma_wait3A_343 = tpu.memref_slice %dma_wait3A_341[%dma_wait3A_329, %dma_wait3A_342] : memref<4x128xi32, #tpu.memory_space<vmem>> -> memref<1x128xi32, #tpu.memory_space<vmem>>
      %dma_wait3A_344 = tpu.memref_squeeze %dma_wait3A_343 : memref<1x128xi32, #tpu.memory_space<vmem>> -> memref<128xi32, #tpu.memory_space<vmem>>
      %dma_wait3A_345 = arith.constant 0 : i32
      %dma_wait3A_346 = arith.constant 0 : i32
      %dma_wait3A_347 = tpu.memref_slice %arg3[%dma_wait3A_345, %dma_wait3A_346] : memref<1000000x64xf32, #tpu.memory_space<hbm>> -> memref<1000000x64xf32, #tpu.memory_space<hbm>>
      tpu.wait_indirect_dma semaphore(%arg10 : memref<!tpu.dma_semaphore, #tpu.memory_space<semaphore_mem>>) src(%dma_wait3A_347 : memref<1000000x64xf32, #tpu.memory_space<hbm>>) dst(%dma_wait3A_337 : memref<128x64xf32, #tpu.memory_space<vmem>>)
      %dma_wait3A_348 = arith.constant 1 : i32
      %dma_wait3A_349 = arith.constant 3 : i32
      %dma_wait3A_350 = arith.constant 1 : i32
      %dma_wait3A_351 = arith.constant 0 : i32
      %dma_wait3A_352 = arith.constant 0 : i32
      %dma_wait3A_353 = tpu.memref_slice %arg6[%dma_wait3A_350, %dma_wait3A_351, %dma_wait3A_352] : memref<2x512x64xf32, #tpu.memory_space<vmem>> -> memref<1x512x64xf32, #tpu.memory_space<vmem>>
      %dma_wait3A_354 = tpu.memref_squeeze %dma_wait3A_353 : memref<1x512x64xf32, #tpu.memory_space<vmem>> -> memref<512x64xf32, #tpu.memory_space<vmem>>
      %dma_wait3A_355 = arith.constant 384 : i32
      %dma_wait3A_356 = arith.constant 0 : i32
      %dma_wait3A_357 = tpu.memref_slice %dma_wait3A_354[%dma_wait3A_355, %dma_wait3A_356] : memref<512x64xf32, #tpu.memory_space<vmem>> -> memref<128x64xf32, #tpu.memory_space<vmem>>
      %dma_wait3A_358 = arith.constant 0 : i32
      %dma_wait3A_359 = arith.constant 0 : i32
      %dma_wait3A_360 = tpu.memref_slice %arg5[%dma_wait3A_348, %dma_wait3A_358, %dma_wait3A_359] : memref<2x4x128xi32, #tpu.memory_space<vmem>> -> memref<1x4x128xi32, #tpu.memory_space<vmem>>
      %dma_wait3A_361 = tpu.memref_squeeze %dma_wait3A_360 : memref<1x4x128xi32, #tpu.memory_space<vmem>> -> memref<4x128xi32, #tpu.memory_space<vmem>>
      %dma_wait3A_362 = arith.constant 0 : i32
      %dma_wait3A_363 = tpu.memref_slice %dma_wait3A_361[%dma_wait3A_349, %dma_wait3A_362] : memref<4x128xi32, #tpu.memory_space<vmem>> -> memref<1x128xi32, #tpu.memory_space<vmem>>
      %dma_wait3A_364 = tpu.memref_squeeze %dma_wait3A_363 : memref<1x128xi32, #tpu.memory_space<vmem>> -> memref<128xi32, #tpu.memory_space<vmem>>
      %dma_wait3A_365 = arith.constant 0 : i32
      %dma_wait3A_366 = arith.constant 0 : i32
      %dma_wait3A_367 = tpu.memref_slice %arg3[%dma_wait3A_365, %dma_wait3A_366] : memref<1000000x64xf32, #tpu.memory_space<hbm>> -> memref<1000000x64xf32, #tpu.memory_space<hbm>>
      tpu.wait_indirect_dma semaphore(%arg10 : memref<!tpu.dma_semaphore, #tpu.memory_space<semaphore_mem>>) src(%dma_wait3A_367 : memref<1000000x64xf32, #tpu.memory_space<hbm>>) dst(%dma_wait3A_357 : memref<128x64xf32, #tpu.memory_space<vmem>>)
      %add3A_368 = arith.constant 2 : i32
      %add3A_369 = arith.addi %add3A_280, %add3A_368 : i32
      %lt3A_370 = arith.constant 50 : i32
      %lt3A_371 = arith.cmpi slt, %add3A_369, %lt3A_370 : i32
      %convert_element_type3A_372 = arith.extui %lt3A_371 : i1 to i32
      %cond3A_373 = arith.constant 0 : i32
      %cond3A_374 = arith.cmpi ne, %convert_element_type3A_372, %cond3A_373 : i32
      scf.if %cond3A_374 {
        %add3A_392 = arith.constant 2 : i32
        %add3A_393 = arith.addi %add3A_280, %add3A_392 : i32
        %mul3A_394 = arith.constant 4 : i32
        %mul3A_395 = arith.muli %add3A_393, %mul3A_394 : i32
        %add3A_396 = arith.addi %mul3A_4, %mul3A_395 : i32
        %dma_start3A_397 = arith.constant 1 : i32
        %dma_start3A_398 = arith.constant 0 : i32
        %dma_start3A_399 = arith.constant 0 : i32
        %dma_start3A_400 = tpu.memref_slice %arg5[%dma_start3A_397, %dma_start3A_398, %dma_start3A_399] : memref<2x4x128xi32, #tpu.memory_space<vmem>> -> memref<1x4x128xi32, #tpu.memory_space<vmem>>
        %dma_start3A_401 = tpu.memref_squeeze %dma_start3A_400 : memref<1x4x128xi32, #tpu.memory_space<vmem>> -> memref<4x128xi32, #tpu.memory_space<vmem>>
        %dma_start3A_402 = arith.constant 0 : i32
        %dma_start3A_403 = tpu.memref_slice %arg2[%add3A_396, %dma_start3A_402] : memref<6400x128xi32, #tpu.memory_space<hbm>> -> memref<4x128xi32, #tpu.memory_space<hbm>>
        %dma_start3A_404 = arith.constant 0 : i32
        %dma_start3A_405 = arith.constant 0 : i32
        %dma_start3A_406 = tpu.memref_slice %arg5[%dma_start3A_397, %dma_start3A_404, %dma_start3A_405] : memref<2x4x128xi32, #tpu.memory_space<vmem>> -> memref<1x4x128xi32, #tpu.memory_space<vmem>>
        %dma_start3A_407 = tpu.memref_squeeze %dma_start3A_406 : memref<1x4x128xi32, #tpu.memory_space<vmem>> -> memref<4x128xi32, #tpu.memory_space<vmem>>
        %dma_start3A_408 = arith.constant 0 : i32
        %dma_start3A_409 = tpu.memref_slice %arg2[%add3A_396, %dma_start3A_408] : memref<6400x128xi32, #tpu.memory_space<hbm>> -> memref<4x128xi32, #tpu.memory_space<hbm>>
        tpu.enqueue_dma source(%dma_start3A_409 : memref<4x128xi32, #tpu.memory_space<hbm>>) target(%dma_start3A_407 : memref<4x128xi32, #tpu.memory_space<vmem>>) target_semaphore(%arg8 : memref<!tpu.dma_semaphore, #tpu.memory_space<semaphore_mem>>)
      } else {
      }
      %mul3A_375 = arith.constant 512 : i32
      %mul3A_376 = arith.muli %add3A_280, %mul3A_375 : i32
      %add3A_377 = arith.addi %mul3A_2, %mul3A_376 : i32
      %dma_start3A_378 = arith.constant 1 : i32
      %dma_start3A_379 = arith.constant 0 : i32
      %dma_start3A_380 = arith.constant 0 : i32
      %dma_start3A_381 = tpu.memref_slice %arg6[%dma_start3A_378, %dma_start3A_379, %dma_start3A_380] : memref<2x512x64xf32, #tpu.memory_space<vmem>> -> memref<1x512x64xf32, #tpu.memory_space<vmem>>
      %dma_start3A_382 = tpu.memref_squeeze %dma_start3A_381 : memref<1x512x64xf32, #tpu.memory_space<vmem>> -> memref<512x64xf32, #tpu.memory_space<vmem>>
      %dma_start3A_383 = arith.constant 0 : i32
      %dma_start3A_384 = tpu.memref_slice %arg4[%add3A_377, %dma_start3A_383] : memref<819200x64xf32, #tpu.memory_space<hbm>> -> memref<512x64xf32, #tpu.memory_space<hbm>>
      %dma_start3A_385 = arith.constant 0 : i32
      %dma_start3A_386 = tpu.memref_slice %arg4[%add3A_377, %dma_start3A_385] : memref<819200x64xf32, #tpu.memory_space<hbm>> -> memref<512x64xf32, #tpu.memory_space<hbm>>
      %dma_start3A_387 = arith.constant 0 : i32
      %dma_start3A_388 = arith.constant 0 : i32
      %dma_start3A_389 = tpu.memref_slice %arg6[%dma_start3A_378, %dma_start3A_387, %dma_start3A_388] : memref<2x512x64xf32, #tpu.memory_space<vmem>> -> memref<1x512x64xf32, #tpu.memory_space<vmem>>
      %dma_start3A_390 = tpu.memref_squeeze %dma_start3A_389 : memref<1x512x64xf32, #tpu.memory_space<vmem>> -> memref<512x64xf32, #tpu.memory_space<vmem>>
      tpu.enqueue_dma source(%dma_start3A_390 : memref<512x64xf32, #tpu.memory_space<vmem>>) target(%dma_start3A_386 : memref<512x64xf32, #tpu.memory_space<hbm>>) target_semaphore(%arg12 : memref<!tpu.dma_semaphore, #tpu.memory_space<semaphore_mem>>)
      %scan3A_391 = arith.constant 0 : i32
      scf.yield %scan3A_391 : i32
    }
    %scan3A_133 = arith.constant 25 : i32
    %add3A_134 = arith.constant 24576 : i32
    %add3A_135 = arith.addi %mul3A_2, %add3A_134 : i32
    %dma_wait3A_136 = arith.constant 0 : i32
    %dma_wait3A_137 = arith.constant 0 : i32
    %dma_wait3A_138 = arith.constant 0 : i32
    %dma_wait3A_139 = tpu.memref_slice %arg6[%dma_wait3A_136, %dma_wait3A_137, %dma_wait3A_138] : memref<2x512x64xf32, #tpu.memory_space<vmem>> -> memref<1x512x64xf32, #tpu.memory_space<vmem>>
    %dma_wait3A_140 = tpu.memref_squeeze %dma_wait3A_139 : memref<1x512x64xf32, #tpu.memory_space<vmem>> -> memref<512x64xf32, #tpu.memory_space<vmem>>
    %dma_wait3A_141 = arith.constant 0 : i32
    %dma_wait3A_142 = tpu.memref_slice %arg4[%add3A_135, %dma_wait3A_141] : memref<819200x64xf32, #tpu.memory_space<hbm>> -> memref<512x64xf32, #tpu.memory_space<hbm>>
    %dma_wait3A_143 = arith.constant 0 : i32
    %dma_wait3A_144 = tpu.memref_slice %arg4[%add3A_135, %dma_wait3A_143] : memref<819200x64xf32, #tpu.memory_space<hbm>> -> memref<512x64xf32, #tpu.memory_space<hbm>>
    %dma_wait3A_145 = arith.constant 0 : i32
    %dma_wait3A_146 = arith.constant 0 : i32
    %dma_wait3A_147 = tpu.memref_slice %arg6[%dma_wait3A_136, %dma_wait3A_145, %dma_wait3A_146] : memref<2x512x64xf32, #tpu.memory_space<vmem>> -> memref<1x512x64xf32, #tpu.memory_space<vmem>>
    %dma_wait3A_148 = tpu.memref_squeeze %dma_wait3A_147 : memref<1x512x64xf32, #tpu.memory_space<vmem>> -> memref<512x64xf32, #tpu.memory_space<vmem>>
    tpu.wait_dma2 semaphore(%arg11 : memref<!tpu.dma_semaphore, #tpu.memory_space<semaphore_mem>>) src(%dma_wait3A_148 : memref<512x64xf32, #tpu.memory_space<vmem>>) dst(%dma_wait3A_144 : memref<512x64xf32, #tpu.memory_space<hbm>>)
    %add3A_149 = arith.constant 25088 : i32
    %add3A_150 = arith.addi %mul3A_2, %add3A_149 : i32
    %dma_wait3A_151 = arith.constant 1 : i32
    %dma_wait3A_152 = arith.constant 0 : i32
    %dma_wait3A_153 = arith.constant 0 : i32
    %dma_wait3A_154 = tpu.memref_slice %arg6[%dma_wait3A_151, %dma_wait3A_152, %dma_wait3A_153] : memref<2x512x64xf32, #tpu.memory_space<vmem>> -> memref<1x512x64xf32, #tpu.memory_space<vmem>>
    %dma_wait3A_155 = tpu.memref_squeeze %dma_wait3A_154 : memref<1x512x64xf32, #tpu.memory_space<vmem>> -> memref<512x64xf32, #tpu.memory_space<vmem>>
    %dma_wait3A_156 = arith.constant 0 : i32
    %dma_wait3A_157 = tpu.memref_slice %arg4[%add3A_150, %dma_wait3A_156] : memref<819200x64xf32, #tpu.memory_space<hbm>> -> memref<512x64xf32, #tpu.memory_space<hbm>>
    %dma_wait3A_158 = arith.constant 0 : i32
    %dma_wait3A_159 = tpu.memref_slice %arg4[%add3A_150, %dma_wait3A_158] : memref<819200x64xf32, #tpu.memory_space<hbm>> -> memref<512x64xf32, #tpu.memory_space<hbm>>
    %dma_wait3A_160 = arith.constant 0 : i32
    %dma_wait3A_161 = arith.constant 0 : i32
    %dma_wait3A_162 = tpu.memref_slice %arg6[%dma_wait3A_151, %dma_wait3A_160, %dma_wait3A_161] : memref<2x512x64xf32, #tpu.memory_space<vmem>> -> memref<1x512x64xf32, #tpu.memory_space<vmem>>
    %dma_wait3A_163 = tpu.memref_squeeze %dma_wait3A_162 : memref<1x512x64xf32, #tpu.memory_space<vmem>> -> memref<512x64xf32, #tpu.memory_space<vmem>>
    tpu.wait_dma2 semaphore(%arg12 : memref<!tpu.dma_semaphore, #tpu.memory_space<semaphore_mem>>) src(%dma_wait3A_163 : memref<512x64xf32, #tpu.memory_space<vmem>>) dst(%dma_wait3A_159 : memref<512x64xf32, #tpu.memory_space<hbm>>)
    return
  }
}

</mosaic_0001>

<sc_bundles>
// kernel: kernel.3.cloned.1.call-start
scs
__scs_entry_jumppad:
0x0: {  	(pc) =	sbr.rel $0x88, $3  }
0x1: {  	(tag) =	ssettag $0x0;
	lr =	simm.s32 $0x1  }
0x2: {  	[smem:$0x3F9F] =	sst lr;
	_ =	strace $0xD0000000  }
0x3: {  	_ = 	snop  }
0x4: {  	_ = 	snop  }
0x5: {  	_ = 	snop  }
0x6: {  	_ = 	snop  }
0x7: {  	_ = 	snop  }
__scs_overlays_trampoline_lowered:
0x8: {  	[smem:$0x3FAE] =	sst s0  }
0x9: {  	[smem:$0x3FAF] =	sst s1  }
0xa: {  	[smem:$0x3FB0] =	sst s2  }
0xb: {  	[smem:$0x3FB1] =	sst s3  }
0xc: {  	[smem:$0x3FB2] =	sst s4  }
0xd: {  	[smem:$0x3FB3] =	sst s5  }
0xe: {  	[smem:$0x3FB4] =	sst s6  }
0xf: {  	[smem:$0x3FB5] =	sst s7  }
0x10: {  	[smem:$0x3FB6] =	sst s8  }
0x11: {  	[smem:$0x3FB7] =	sst s9;
	s0 =	simm.s32 @!p0 $0x0  }
0x12: {  	s1 =	sld [smem:$0x3F9D];
	s0 =	simm.s32 @p0 $0x1  }
0x13: {  	[smem:$0x3FB8] =	sst s0;
	s0 =	simm.s32 @!p1 $0x0  }
0x14: {  	s2 =	sld [smem:$0x3F9C];
	s0 =	simm.s32 @p1 $0x1  }
0x15: {  	[smem:$0x3FB9] =	sst s0;
	s0 =	simm.s32 @!p2 $0x0  }
0x16: {  	s3 =	sld [smem:$0x3FDB];
	s0 =	simm.s32 @p2 $0x1  }
0x17: {  	s4 =	simm.s32 $0x1BF5;
	[smem:$0x3FBB] =	sst s0  }
0x18: {  	s0 =	sld [smem:$0x3F9E];
	_ =	swait.ge [sflag:s4], $0x0  }
0x19: {  	s7 =	sld [smem:$0x3F9F]  }
0x1a: {  	s8 =	sadd.s32 $0xFFFFE003, lr  }
0x1b: {  	s9 =	sadd.s32 $0xFFFFFEF7, lr;
	s5 =	simm.s32 $0xFFFFFFFF;
	p2 =	slt.u32 s8, $0xFFFFF086  }
0x1c: {  	p1 =	slt.u32 s9, $0xF7A;
	s5 =	simm.s32 @!p2 $0x0  }
0x1d: {  	s5 =	simm.s32 @p1 $0x1;
	p0 =	seq.s32 s7, s2  }
0x1e: {  	s7 =	smul.u32 @!p0 $0xF7A, s2;
	p2 =	seq.s32 @!p0 s5, $0x0  }
0x1f: {  	s9 =	smul.u32 $0xF7A, s1;
	s8 =	simm.s32 @!p0 $0x1BF5;
	p2 =	por !p2, p0  }
0x20: {  	[sflag:s8] =	ssyncset.s32 @!p0 $0xFFFFF086;
	s6 =	sadd.s32 @!p0 s3, s7;
	s7 =	simm.s32 @!p0 $0x108  }
0x21: {  	s3 =	sadd.s32 s3, s9;
	s6 =	sadd.s32 @!p0 $0x88, s6;
	s7 =	simm.s32 @p2 $0x1082  }
0x22: {  	[simem:s7], [sflag:s8] =	dma.local @!p0 [hbm:s6], $0xF7A  }
0x23: {  	s9 =	sor.u32 $0xD0000000, s2;
	s6 =	simm.s32 $0x108;
	_ =	swait.ge @!p0 [sflag:s8], $0x0  }
0x24: {  	s3 =	sadd.s32 $0x88, s3;
	s6 =	simm.s32 @!p1 $0x1082;
	[sflag:s4] =	ssyncset.s32 $0xFFFFF086  }
0x25: {  	[simem:s6], [sflag:s4] =	dma.local [hbm:s3], $0xF7A  }
0x26: {  	[smem:$0x3F9F] =	sst s1;
	(tag) =	ssettag s2;
	_ =	strace s9  }
0x27: {  	s1 =	sld [smem:$0x3FAF]  }
0x28: {  	s2 =	sld [smem:$0x3FB0]  }
0x29: {  	s4 =	sld [smem:$0x3FB2]  }
0x2a: {  	p0 =	seq.s32 s5, $0x0;
	s5 =	sld [smem:$0x3FB3]  }
0x2b: {  	s6 =	sld [smem:$0x3FB4]  }
0x2c: {  	s7 =	sld [smem:$0x3FB5]  }
0x2d: {  	s3 =	simm.s32 $0x108;
	s8 =	sld [smem:$0x3FB6]  }
0x2e: {  	s3 =	simm.s32 @!p0 $0x1082;
	s9 =	sld [smem:$0x3FB7]  }
0x2f: {  	lr =	sadd.s32 s0, s3;
	s0 =	sld [smem:$0x3FAE]  }
0x30: {  	s3 =	sld [smem:$0x3FB1]  }
0x31: {  	[smem:$0x3FBA] =	sst s10  }
0x32: {  	s10 =	sld [smem:$0x3FB8];
	_ =	sdelay $0x3  }
0x33: {  	p0 =	seq.s32 s10, $0x1;
	s10 =	sld [smem:$0x3FBA];
	_ =	sdelay $0x3  }
0x34: {  	[smem:$0x3FBA] =	sst s10  }
0x35: {  	s10 =	sld [smem:$0x3FB9];
	_ =	sdelay $0x3  }
0x36: {  	p1 =	seq.s32 s10, $0x1;
	s10 =	sld [smem:$0x3FBA];
	_ =	sdelay $0x3  }
0x37: {  	[smem:$0x3FBA] =	sst s10  }
0x38: {  	s10 =	sld [smem:$0x3FBB]  }
0x39: {  	_ = 	snop;
	(pc) =	sbr.ind lr, $3  }
0x3a: {  	_ = 	snop  }
0x3b: {  	_ = 	snop  }
0x3c: {  	p2 =	seq.s32 s10, $0x1;
	s10 =	sld [smem:$0x3FBA]  }
0x3d: {  	_ =	shalt  }
0x3e: {  	_ =	shalt  }
0x3f: {  	_ =	shalt  }
0x40: {  	_ =	shalt  }
0x41: {  	_ =	shalt  }
0x42: {  	_ =	shalt  }
0x43: {  	_ =	shalt  }
0x44: {  	_ =	shalt  }
0x45: {  	_ =	shalt  }
0x46: {  	_ =	shalt  }
0x47: {  	_ =	shalt  }
0x48: {  	_ =	shalt  }
0x49: {  	_ =	shalt  }
0x4a: {  	_ =	shalt  }
0x4b: {  	_ =	shalt  }
0x4c: {  	_ =	shalt  }
0x4d: {  	_ =	shalt  }
0x4e: {  	_ =	shalt  }
0x4f: {  	_ =	shalt  }
0x50: {  	_ =	shalt  }
0x51: {  	_ =	shalt  }
0x52: {  	_ =	shalt  }
0x53: {  	_ =	shalt  }
0x54: {  	_ =	shalt  }
0x55: {  	_ =	shalt  }
0x56: {  	_ =	shalt  }
0x57: {  	_ =	shalt  }
0x58: {  	_ =	shalt  }
0x59: {  	_ =	shalt  }
0x5a: {  	_ =	shalt  }
0x5b: {  	_ =	shalt  }
0x5c: {  	_ =	shalt  }
0x5d: {  	_ =	shalt  }
0x5e: {  	_ =	shalt  }
0x5f: {  	_ =	shalt  }
0x60: {  	_ =	shalt  }
0x61: {  	_ =	shalt  }
0x62: {  	_ =	shalt  }
0x63: {  	_ =	shalt  }
0x64: {  	_ =	shalt  }
0x65: {  	_ =	shalt  }
0x66: {  	_ =	shalt  }
0x67: {  	_ =	shalt  }
0x68: {  	_ =	shalt  }
0x69: {  	_ =	shalt  }
0x6a: {  	_ =	shalt  }
0x6b: {  	_ =	shalt  }
0x6c: {  	_ =	shalt  }
0x6d: {  	_ =	shalt  }
0x6e: {  	_ =	shalt  }
0x6f: {  	_ =	shalt  }
0x70: {  	_ =	shalt  }
0x71: {  	_ =	shalt  }
0x72: {  	_ =	shalt  }
0x73: {  	_ =	shalt  }
0x74: {  	_ =	shalt  }
0x75: {  	_ =	shalt  }
0x76: {  	_ =	shalt  }
0x77: {  	_ =	shalt  }
0x78: {  	_ =	shalt  }
0x79: {  	_ =	shalt  }
0x7a: {  	_ =	shalt  }
0x7b: {  	_ =	shalt  }
0x7c: {  	_ =	shalt  }
0x7d: {  	_ =	shalt  }
0x7e: {  	_ =	shalt  }
0x7f: {  	_ =	shalt  }
0x80: {  	_ =	shalt  }
0x81: {  	_ =	shalt  }
0x82: {  	_ =	shalt  }
0x83: {  	_ =	shalt  }
0x84: {  	_ =	shalt  }
0x85: {  	_ =	shalt  }
0x86: {  	_ =	shalt  }
0x87: {  	_ =	shalt  }
.Lfunc_end0:
.L_simem_size_0:
called_computation.1_lowered:
.L_overlay_start_0:
0x88: {  	s2 =	sld [smem:$0x3FD9]  }
0x89: {  	s3 =	sld [smem:$0x3FFE];
	_ =	sdelay $0x1  }
0x8a: {  	s1 =	srdreg.scid  }
0x8b: {  	s0 =	sand.u32 $0x1, s1  }
0x8c: {  	s17 =	sshll.u32 s0, $0xA;
	s2 =	sadd.s32 s3, s2  }
0x8d: {  	s2 =	sadd.s32 s2, s17  }
0x8e: {  	[smem:$0x3FC6] =	sst s2  }
0x8f: {  	_ = 	snop  }
0x90: {  	s2 =	sld [smem:$0x3FD0];
	(tm) =	ssettm $0x1  }
0x91: {  	s18 =	sld [smem:$0x3FFB];
	_ =	sdelay $0x3  }
0x92: {  	_ =	strace s18  }
0x93: {  	s3 =	sld [smem:$0x3FFC];
	_ =	sdelay $0x3  }
0x94: {  	_ =	strace s3  }
0x95: {  	s3 =	sld [smem:$0x3FFD];
	_ =	sdelay $0x3  }
0x96: {  	_ =	strace s3  }
0x97: {  	_ =	strace $0x8FFFFFFF  }
0x98: {  	s19 =	sld [smem:$0x3FDB];
	_ =	sdelay $0x1  }
0x99: {  	s4 =	simm.s32 $_scs_section_size  }
0x9a: {  	s5 =	simm.s32 $_size__tile_overlayer_lowered;
	s6 =	simm.s32 $_tile_overlayer_lowered  }
0x9b: {  	s22 =	simm.s32 $0x1BFF;
	s21 =	sshll.u32 s6, $0x1;
	s3 =	sadd.s32 s4, s19  }
0x9c: {  	s7 =	simm.s32 $0x0;
	s20 =	sshll.u32 s5, $0x1;
	s5 =	sadd.s32 s21, s3  }
0x9d: {  	[timem:s7], [sflag:s22] =	dma.local [hbm:s5], s20  }
0x9e: {  	_ =	swait.ge [sflag:s22], s20  }
0x9f: {  	s4 =	ssub.s32 $0x0, s20;
	[sflag:s22] =	ssyncset.done $0x0  }
0xa0: {  	[sflag:s22] =	ssyncadd.s32 s4;
	_ =	sdelay $0x1  }
0xa1: {  	s23 =	simm.s32 $0x1B8B  }
0xa2: {  	_ =	swait.ge [sflag:s23], $0x1  }
0xa3: {  	[sflag:s23] =	ssyncset.done $0x0  }
0xa4: {  	s25 =	simm.s32 $0x1B8E;
	s24 =	sld [smem:$0x3FFE];
	[sflag:s23] =	ssyncadd.s32 $0xFFFFFFFF  }
0xa5: {  	s26 =	simm.s32 $execute0_lowered;
	[smem:$0x3FD2] =	sst s25  }
0xa6: {  	s5 =	sshll.u32 s26, $0x1;
	_ =	strace $0x80000046;
	[dreg:$0x1] =	wrdreg $0xFFFFFFFF  }
0xa7: {  	s28 =	simm.s32 $_size_execute0_lowered;
	s3 =	sadd.s32 s3, s5;
	[dreg:$0x0] =	wrdreg $0x0  }
0xa8: {  	s5 =	sshll.u32 s28, $0x1;
	[dreg:$0x2] =	wrdreg s3  }
0xa9: {  	[dreg:$0x3] =	wrdreg s5  }
0xaa: {  	[dreg:$0x4] =	wrdreg $0xC0  }
0xab: {  	_ =	task [dreg:s7], $0x5FFFF  }
0xac: {  	[dreg:$0x1] =	wrdreg $0xFFFFFFFF  }
0xad: {  	[dreg:$0x0] =	wrdreg $0x60  }
0xae: {  	[dreg:$0x2] =	wrdreg s24  }
0xaf: {  	[dreg:$0x3] =	wrdreg s2  }
0xb0: {  	[dreg:$0x4] =	wrdreg $0x9  }
0xb1: {  	_ =	task.clear_ibuf [dreg:s7], $0x5FFFF;
	_ =	strace $0x90000046  }
0xb2: {  	s29 =	simm.s32 $0x9;
	_ =	strace $0x80000048  }
0xb3: {  	_ =	swait.ge [sflag:s29], $0x1  }
0xb4: {  	[sflag:s29] =	ssyncadd.s32 $0xFFFFFFFF  }
0xb5: {  	_ =	strace $0x90000048  }
0xb6: {  	_ =	sfence  }
0xb7: {  	s30 =	sld [smem:$0x0];
	_ =	sdelay $0x2  }
0xb8: {  	s31 =	sshll.u32 s1, $0xD;
	s1 =	sshrl.u32 s1, $0x2  }
0xb9: {  	s3 =	sand.u32 $0x4000, s31;
	s1 =	sadd.s32 s1, s30  }
0xba: {  	s0 =	sor.u32 s3, s0;
	s1 =	sshll.u32 s1, $0x11  }
0xbb: {  	s0 =	sor.u32 s1, s0  }
0xbc: {  	s0 =	sadd.s32 $0x8F2B, s0  }
0xbd: {  	[sflag:s0] =	ssyncadd.remote.s32 $0x1  }
0xbe: {  	_ =	sfence.sel $0xFFFF  }
0xbf: {  	[dreg:$0x0] =	wrdreg $0xFFFFFFFF;
	(pc) =	sbr.abs _section_cstart, $3  }
0xc0: {  	[dreg:$0x1] =	wrdreg $0xFFFFFFFF  }
0xc1: {  	_ =	task.clear_ibuf [dreg:s7], $0x2FFFF;
	_ =	strace $0x9FFFFFFF  }
0xc2: {  	(tm) =	ssettm $0x7FFFFFFF  }
0xc3: {  	_ =	shalt  }
tec
execute0_lowered:
.L_overlay_start_1:
0x0: {  	(tag) =	ssettag $0x1  }
0x1: {  	s0 =	srdreg.scid;
	s1 =	rddreg [dreg:$0x0]  }
0x2: {  	s7 =	stileid.u32;
	s8 =	rddreg [dreg:$0x1];
	s26 =	simm.s32 $0x280  }
0x3: {  	s29 =	simm.s32 $0xA400;
	s18 =	simm.s32 $0x6400;
	s30 =	simm.s32 $0x300  }
0x4: {  	s19 =	simm.s32 $0x2;
	s31 =	simm.s32 $0xC400;
	s10 =	smul.u32 $0xC800, s7  }
0x5: {  	s0 =	sand.u32 $0x1, s0;
	s2 =	sshll.u32 s7, $0x1;
	s12 =	smul.u32 $0x320000, s7  }
0x6: {  	s28 =	simm.s32 $0x0;
	s3 =	sor.u32 s0, s2;
	s11 =	smul.u32 $0x6400, s0  }
0x7: {  	s2 =	simm.s32 $0x0;
	s6 =	ssub.s32 $0x2, s0;
	s0 =	smul.u32 $0x190000, s0  }
0x8: {  	s4 =	sadd.s32 $0xF42E00, s1;
	s5 =	smul.u32 $0xC80, s3;
	[smem:$0x7FF] =	sst s2  }
0x9: {  	s9 =	smul.u32 $0x190000, s3;
	s3 =	sadd.s32 $0xA00, s1;
	s20 =	sshrl.u32 s6, $0x1  }
0xa: {  	_ =	strace $0x80000047;
	s1 =	ssub.s32 s6, s20;
	[dreg:$0x6] =	wrdreg s26  }
0xb: {  	s22 =	sadd.s32 s11, s10;
	s0 =	sadd.s32 s0, s12;
	[dreg:$0x7] =	wrdreg s29  }
0xc: {  	s11 =	simm.s32 $0x1;
	s12 =	simm.s32 $0x80;
	[dreg:$0x8] =	wrdreg s30  }
0xd: {  	s20 =	simm.s32 $0x8400;
	[dreg:$0x9] =	wrdreg s31;
	s26 =	simm.s32 $0x6  }
0xe: {  	s5 =	sadd.s32 s3, s5;
	s7 =	smax.u32 s1, $0x1;
	s21 =	sshrl.u32 s9, $0x3  }
0xf: {  	s10 =	sadd.s32 $0x600, s22;
	s23 =	sor.u32 $0x8000, s0;
	s0 =	sshrl.u32 s0, $0x3  }
0x10: {  	s9 =	sadd.s32 $0x400, s22;
	s22 =	simm.s32 $0xE400;
	s6 =	sadd.s32 $0x40, s5  }
0x11: {  	s1 =	sadd.s32 s8, s21;
	s24 =	sshrl.u32 s10, $0x3;
	s25 =	sshrl.u32 s23, $0x3  }
0x12: {  	s0 =	sadd.s32 s0, s8;
	s21 =	simm.s32 $0x380;
	s23 =	simm.s32 $0x3  }
0x13: {  	s1 =	sadd.s32 $0x30000, s1;
	s10 =	sadd.s32 s25, s8;
	[dreg:$0x5] =	wrdreg s0  }
0x14: {  	s25 =	simm.s32 $0x5;
	[dreg:$0x3] =	wrdreg s1;
	s1 =	sadd.s32 s24, s3  }
0x15: {  	[dreg:$0x4] =	wrdreg s10;
	s10 =	simm.s32 $0x200;
	s24 =	simm.s32 $0x4  }
.LBB2_1:
0x16: {  	[tilespmem:s2], [sflag:$0x1] =	stream.linear.gather [hbm4b:s5+s2], $0x200, $0x38;
	[tilespmem:$0x10400] =	vst v63  }
0x17: {  	_ = 	snop  }
0x18: {  	[tilespmem:s10], [sflag:$0x2] =	stream.linear.gather [hbm4b:s6+s2], $0x200, $0x38;
	[tilespmem:$0x10400] =	vst v63  }
0x19: {  	_ =	swait.ge [sflag:s11], $0x200  }
0x1a: {  	[sflag:s11] =	ssyncset.done $0x0  }
0x1b: {  	s0 =	simm.s32 $0x400;
	[sflag:s11] =	ssyncadd.s32 $0xFFFFFE00  }
0x1c: {  	[tilespmem:s0], [sflag:$0x3] =	stream.indirect.gather [hbm4b:s4+s12], $0x40, s2, s12, $0xb8;
	[tilespmem:$0x10400] =	vst v63  }
0x1d: {  	s13 =	simm.s32 $0x2400  }
0x1e: {  	[tilespmem:s13], [sflag:$0x3] =	stream.indirect.gather [hbm4b:s4+s12], $0x40, s12, s12, $0xb8;
	[tilespmem:$0x10400] =	vst v63  }
0x1f: {  	s14 =	simm.s32 $0x100;
	s8 =	simm.s32 $0x4400  }
0x20: {  	[tilespmem:s8], [sflag:$0x3] =	stream.indirect.gather [hbm4b:s4+s12], $0x40, s14, s12, $0xb8;
	[tilespmem:$0x10400] =	vst v63  }
0x21: {  	s15 =	simm.s32 $0x180  }
0x22: {  	[tilespmem:s18], [sflag:$0x3] =	stream.indirect.gather [hbm4b:s4+s12], $0x40, s15, s12, $0xb8;
	[tilespmem:$0x10400] =	vst v63  }
0x23: {  	_ =	swait.ge [sflag:s19], $0x200  }
0x24: {  	p0 =	por $0x1, $0x1;
	[sflag:s19] =	ssyncset.done $0x0  }
0x25: {  	s0 =	simm.s32 @!p0 $0x6;
	[sflag:s19] =	ssyncadd.s32 $0xFFFFFE00  }
0x26: {  	_ =	swait.ge @!p0 [sflag:s0], $0x8000  }
0x27: {  	s16 =	rddreg [dreg:$0x8];
	[sflag:s0] =	ssyncset.done @!p0 $0x0  }
0x28: {  	s13 =	rddreg [dreg:$0x6];
	[sflag:s0] =	ssyncadd.s32 @!p0 $0xFFFF8000  }
0x29: {  	[tilespmem:s20], [sflag:$0x4] =	stream.indirect.gather [hbm4b:s4+s12], $0x40, s10, s12, $0xb8;
	[tilespmem:$0x10400] =	vst v63  }
0x2a: {  	s17 =	rddreg [dreg:$0x7]  }
0x2b: {  	[tilespmem:s17], [sflag:$0x4] =	stream.indirect.gather [hbm4b:s4+s12], $0x40, s13, s12, $0xb8;
	[tilespmem:$0x10400] =	vst v63  }
0x2c: {  	s29 =	rddreg [dreg:$0x9]  }
0x2d: {  	[tilespmem:s29], [sflag:$0x4] =	stream.indirect.gather [hbm4b:s4+s12], $0x40, s16, s12, $0xb8;
	[tilespmem:$0x10400] =	vst v63  }
0x2e: {  	_ = 	snop  }
0x2f: {  	[tilespmem:s22], [sflag:$0x4] =	stream.indirect.gather [hbm4b:s4+s12], $0x40, s21, s12, $0xb8;
	[tilespmem:$0x10400] =	vst v63  }
0x30: {  	_ =	swait.ge [sflag:s23], $0x2000  }
0x31: {  	[sflag:s23] =	ssyncset.done $0x0  }
0x32: {  	[sflag:s23] =	ssyncadd.s32 $0xFFFFE000  }
0x33: {  	_ =	swait.ge [sflag:s23], $0x2000  }
0x34: {  	[sflag:s23] =	ssyncset.done $0x0  }
0x35: {  	[sflag:s23] =	ssyncadd.s32 $0xFFFFE000  }
0x36: {  	_ =	swait.ge [sflag:s23], $0x2000  }
0x37: {  	[sflag:s23] =	ssyncset.done $0x0  }
0x38: {  	[sflag:s23] =	ssyncadd.s32 $0xFFFFE000  }
0x39: {  	p0 =	por $0x0, $0x0;
	_ =	swait.ge [sflag:s23], $0x2000  }
0x3a: {  	s8 =	simm.s32 @p0 $0x0;
	s13 =	simm.s32 @p0 $0x400;
	[sflag:s23] =	ssyncset.done $0x0  }
0x3b: {  	s29 =	sshrl.u32 @!p0 s9, $0x3;
	s0 =	rddreg [dreg:$0x3];
	[sflag:s23] =	ssyncadd.s32 $0xFFFFE000  }
0x3c: {  	[hbm4b:s0+s8] =	stream.linear.scatter @p0 [tilespmem:s13], [sflag:$0x5], $0x8000, $0x38;
	[tilespmem:$0x10400] =	vst v63  }
0x3d: {  	s30 =	rddreg [dreg:$0x5];
	s0 =	sadd.s32 @!p0 s3, s29;
	s8 =	simm.s32 @!p0 $0x0  }
0x3e: {  	[tilespmem:s8], [sflag:$0x1] =	stream.linear.gather @!p0 [hbm4b:s0+s8], $0x200, $0x38;
	[tilespmem:$0x10400] =	vst v63  }
0x3f: {  	s13 =	sadd.s32 @!p0 $0x0, s30;
	s29 =	simm.s32 @!p0 $0x1;
	s0 =	simm.s32 @!p0 $0x400  }
0x40: {  	[hbm4b:s13+s8] =	stream.linear.scatter @!p0 [tilespmem:s0], [sflag:$0x5], $0x8000, $0x38;
	[tilespmem:$0x10400] =	vst v63  }
0x41: {  	_ =	swait.ge @!p0 [sflag:s29], $0x200  }
0x42: {  	[sflag:s29] =	ssyncset.done @!p0 $0x0  }
0x43: {  	s13 =	simm.s32 @!p0 $0x5;
	[sflag:s29] =	ssyncadd.s32 @!p0 $0xFFFFFE00  }
0x44: {  	_ =	swait.ge @!p0 [sflag:s13], $0x8000  }
0x45: {  	[sflag:s13] =	ssyncset.done @!p0 $0x0  }
0x46: {  	s29 =	simm.s32 @!p0 $0x80;
	[sflag:s13] =	ssyncadd.s32 @!p0 $0xFFFF8000  }
0x47: {  	[tilespmem:s0], [sflag:$0x3] =	stream.indirect.gather @!p0 [hbm4b:s4+s29], $0x40, s8, s29, $0xb8;
	[tilespmem:$0x10400] =	vst v63  }
0x48: {  	s0 =	simm.s32 @!p0 $0x2400  }
0x49: {  	[tilespmem:s0], [sflag:$0x3] =	stream.indirect.gather @!p0 [hbm4b:s4+s29], $0x40, s29, s29, $0xb8;
	[tilespmem:$0x10400] =	vst v63  }
0x4a: {  	s13 =	simm.s32 @!p0 $0x4400;
	s0 =	simm.s32 @!p0 $0x100  }
0x4b: {  	[tilespmem:s13], [sflag:$0x3] =	stream.indirect.gather @!p0 [hbm4b:s4+s29], $0x40, s0, s29, $0xb8;
	[tilespmem:$0x10400] =	vst v63  }
0x4c: {  	s0 =	simm.s32 @!p0 $0x180;
	s13 =	simm.s32 @!p0 $0x6400  }
0x4d: {  	[tilespmem:s13], [sflag:$0x3] =	stream.indirect.gather @!p0 [hbm4b:s4+s29], $0x40, s0, s29, $0xb8;
	[tilespmem:$0x10400] =	vst v63  }
0x4e: {  	_ =	swait.ge [sflag:s24], $0x2000  }
0x4f: {  	[sflag:s24] =	ssyncset.done $0x0  }
0x50: {  	[sflag:s24] =	ssyncadd.s32 $0xFFFFE000  }
0x51: {  	_ =	swait.ge [sflag:s24], $0x2000  }
0x52: {  	[sflag:s24] =	ssyncset.done $0x0  }
0x53: {  	[sflag:s24] =	ssyncadd.s32 $0xFFFFE000  }
0x54: {  	_ =	swait.ge [sflag:s24], $0x2000  }
0x55: {  	[sflag:s24] =	ssyncset.done $0x0  }
0x56: {  	[sflag:s24] =	ssyncadd.s32 $0xFFFFE000  }
0x57: {  	_ =	swait.ge [sflag:s24], $0x2000  }
0x58: {  	s31 =	simm.s32 $0x0;
	[sflag:s24] =	ssyncset.done $0x0  }
0x59: {  	s30 =	sadd.s32 $0x400, s9;
	s0 =	simm.s32 @!p0 $0x200;
	[sflag:s24] =	ssyncadd.s32 $0xFFFFE000  }
0x5a: {  	[tilespmem:s0], [sflag:$0x2] =	stream.linear.gather @!p0 [hbm4b:s1+s8], $0x200, $0x38;
	[tilespmem:$0x10400] =	vst v63  }
0x5b: {  	s29 =	simm.s32 $0x2000;
	s13 =	rddreg [dreg:$0x4];
	s8 =	smov.u32 s1  }
.LBB2_2:
0x5c: {  	s0 =	sadd.s32 s31, s13  }
0x5d: {  	[hbm4b:s0+s2] =	stream.linear.scatter [tilespmem:s20], [sflag:$0x6], $0x8000, $0x38;
	[tilespmem:$0x10400] =	vst v63  }
0x5e: {  	s31 =	smov.u32 s29;
	_ =	swait.ge [sflag:s19], $0x200  }
0x5f: {  	p1 =	seq.s32 s31, $0x0;
	[sflag:s19] =	ssyncset.done $0x0  }
0x60: {  	s0 =	simm.s32 @!p1 $0x6;
	[sflag:s19] =	ssyncadd.s32 $0xFFFFFE00  }
0x61: {  	_ =	swait.ge @!p1 [sflag:s0], $0x8000  }
0x62: {  	[sflag:s0] =	ssyncset.done @!p1 $0x0;
	s16 =	rddreg [dreg:$0x8]  }
0x63: {  	s17 =	rddreg [dreg:$0x6];
	[sflag:s0] =	ssyncadd.s32 @!p1 $0xFFFF8000  }
0x64: {  	[tilespmem:s20], [sflag:$0x4] =	stream.indirect.gather [hbm4b:s4+s12], $0x40, s10, s12, $0xb8;
	[tilespmem:$0x10400] =	vst v63  }
0x65: {  	s14 =	rddreg [dreg:$0x7]  }
0x66: {  	[tilespmem:s14], [sflag:$0x4] =	stream.indirect.gather [hbm4b:s4+s12], $0x40, s17, s12, $0xb8;
	[tilespmem:$0x10400] =	vst v63  }
0x67: {  	s15 =	rddreg [dreg:$0x9]  }
0x68: {  	[tilespmem:s15], [sflag:$0x4] =	stream.indirect.gather [hbm4b:s4+s12], $0x40, s16, s12, $0xb8;
	[tilespmem:$0x10400] =	vst v63  }
0x69: {  	_ = 	snop  }
0x6a: {  	[tilespmem:s22], [sflag:$0x4] =	stream.indirect.gather [hbm4b:s4+s12], $0x40, s21, s12, $0xb8;
	[tilespmem:$0x10400] =	vst v63  }
0x6b: {  	_ =	swait.ge [sflag:s23], $0x2000  }
0x6c: {  	[sflag:s23] =	ssyncset.done $0x0  }
0x6d: {  	[sflag:s23] =	ssyncadd.s32 $0xFFFFE000  }
0x6e: {  	_ =	swait.ge [sflag:s23], $0x2000  }
0x6f: {  	[sflag:s23] =	ssyncset.done $0x0  }
0x70: {  	[sflag:s23] =	ssyncadd.s32 $0xFFFFE000  }
0x71: {  	_ =	swait.ge [sflag:s23], $0x2000  }
0x72: {  	[sflag:s23] =	ssyncset.done $0x0  }
0x73: {  	[sflag:s23] =	ssyncadd.s32 $0xFFFFE000  }
0x74: {  	p1 =	seq.s32 s31, $0x30000;
	_ =	swait.ge [sflag:s23], $0x2000  }
0x75: {  	s13 =	simm.s32 @p1 $0x0;
	s14 =	simm.s32 @p1 $0x400;
	[sflag:s23] =	ssyncset.done $0x0  }
0x76: {  	s15 =	sshrl.u32 @!p1 s30, $0x3;
	s0 =	rddreg [dreg:$0x3];
	[sflag:s23] =	ssyncadd.s32 $0xFFFFE000  }
0x77: {  	[hbm4b:s0+s13] =	stream.linear.scatter @p1 [tilespmem:s14], [sflag:$0x5], $0x8000, $0x38;
	[tilespmem:$0x10400] =	vst v63  }
0x78: {  	s16 =	rddreg [dreg:$0x5];
	s13 =	sadd.s32 @!p1 s3, s15;
	s0 =	simm.s32 @!p1 $0x0  }
0x79: {  	[tilespmem:s0], [sflag:$0x1] =	stream.linear.gather @!p1 [hbm4b:s13+s0], $0x200, $0x38;
	[tilespmem:$0x10400] =	vst v63  }
0x7a: {  	s14 =	simm.s32 @!p1 $0x400;
	s15 =	simm.s32 @!p1 $0x1;
	s13 =	sadd.s32 @!p1 s31, s16  }
0x7b: {  	[hbm4b:s13+s0] =	stream.linear.scatter @!p1 [tilespmem:s14], [sflag:$0x5], $0x8000, $0x38;
	[tilespmem:$0x10400] =	vst v63  }
0x7c: {  	_ =	swait.ge @!p1 [sflag:s15], $0x200  }
0x7d: {  	[sflag:s15] =	ssyncset.done @!p1 $0x0  }
0x7e: {  	s13 =	simm.s32 @!p1 $0x5;
	[sflag:s15] =	ssyncadd.s32 @!p1 $0xFFFFFE00  }
0x7f: {  	_ =	swait.ge @!p1 [sflag:s13], $0x8000  }
0x80: {  	[sflag:s13] =	ssyncset.done @!p1 $0x0  }
0x81: {  	s15 =	simm.s32 @!p1 $0x80;
	[sflag:s13] =	ssyncadd.s32 @!p1 $0xFFFF8000  }
0x82: {  	[tilespmem:s14], [sflag:$0x3] =	stream.indirect.gather @!p1 [hbm4b:s4+s15], $0x40, s0, s15, $0xb8;
	[tilespmem:$0x10400] =	vst v63  }
0x83: {  	s13 =	simm.s32 @!p1 $0x2400  }
0x84: {  	[tilespmem:s13], [sflag:$0x3] =	stream.indirect.gather @!p1 [hbm4b:s4+s15], $0x40, s15, s15, $0xb8;
	[tilespmem:$0x10400] =	vst v63  }
0x85: {  	s16 =	simm.s32 @!p1 $0x4400;
	s14 =	simm.s32 @!p1 $0x100  }
0x86: {  	[tilespmem:s16], [sflag:$0x3] =	stream.indirect.gather @!p1 [hbm4b:s4+s15], $0x40, s14, s15, $0xb8;
	[tilespmem:$0x10400] =	vst v63  }
0x87: {  	s17 =	simm.s32 @!p1 $0x6400;
	s13 =	simm.s32 @!p1 $0x180  }
0x88: {  	[tilespmem:s17], [sflag:$0x3] =	stream.indirect.gather @!p1 [hbm4b:s4+s15], $0x40, s13, s15, $0xb8;
	[tilespmem:$0x10400] =	vst v63  }
0x89: {  	_ =	swait.ge [sflag:s24], $0x2000  }
0x8a: {  	[sflag:s24] =	ssyncset.done $0x0  }
0x8b: {  	[sflag:s24] =	ssyncadd.s32 $0xFFFFE000  }
0x8c: {  	_ =	swait.ge [sflag:s24], $0x2000  }
0x8d: {  	[sflag:s24] =	ssyncset.done $0x0  }
0x8e: {  	[sflag:s24] =	ssyncadd.s32 $0xFFFFE000  }
0x8f: {  	s29 =	sadd.s32 $0x2000, s29;
	_ =	swait.ge [sflag:s24], $0x2000  }
0x90: {  	p0 =	sne.s32 s29, $0x32000;
	[sflag:s24] =	ssyncset.done $0x0  }
.Ltmp0:
0x91: {  	[sflag:s24] =	ssyncadd.s32 $0xFFFFE000;
	(pc) =	sbr.rel @p0 .LBB2_2-.Ltmp0, $4  }
0x92: {  	_ =	swait.ge [sflag:s24], $0x2000  }
0x93: {  	s8 =	sadd.s32 $0x80, s8;
	s30 =	sadd.s32 $0x400, s30;
	[sflag:s24] =	ssyncset.done $0x0  }
0x94: {  	s14 =	simm.s32 @!p1 $0x200;
	s13 =	rddreg [dreg:$0x4];
	[sflag:s24] =	ssyncadd.s32 $0xFFFFE000  }
0x95: {  	[tilespmem:s14], [sflag:$0x2] =	stream.linear.gather @!p1 [hbm4b:s8+s0], $0x200, $0x38;
	[tilespmem:$0x10400] =	vst v63  }
0x96: {  	s0 =	sadd.s32 s31, s13;
	s28 =	sadd.s32 $0x1, s28  }
0x97: {  	[hbm4b:s0+s2] =	stream.linear.scatter [tilespmem:s20], [sflag:$0x6], $0x8000, $0x38;
	[tilespmem:$0x10400] =	vst v63  }
0x98: {  	p0 =	sne.s32 s28, s7;
	_ =	swait.ge [sflag:s25], $0x8000  }
.Ltmp1:
0x99: {  	[sflag:s25] =	ssyncset.done $0x0;
	(pc) =	sbr.rel @p0 .LBB2_1-.Ltmp1, $4  }
0x9a: {  	[sflag:s25] =	ssyncadd.s32 $0xFFFF8000  }
0x9b: {  	_ =	swait.ge [sflag:s26], $0x8000  }
0x9c: {  	[sflag:s26] =	ssyncset.done $0x0  }
0x9d: {  	[sflag:s26] =	ssyncadd.s32 $0xFFFF8000  }
0x9e: {  	_ =	sfence.sel $0x180000  }
0x9f: {  	[bflag:$0x0] =	sbarrier.arrive $0xFFFF  }
0xa0: {  	_ =	strace $0x90000047  }
0xa1: {  	s0 =	stileid.u32;
	[bflag:$0x2] =	sbarrier.arrive $0xFFFF  }
0xa2: {  	p0 =	sne.s32 s0, $0x0;
	s0 =	rddreg [dreg:$0x2]  }
0xa3: {  	s0 =	sadd.s32 @!p0 $0x100000, s0  }
0xa4: {  	[sflag:s0] =	ssyncadd.tile.s32 @!p0 $0x1;
	_ =	shalt  }
.Lfunc_end2:
_tile_overlayer_lowered:
.L_overlay_start_2:
0xa5: {  	(tag) =	ssettag $0x2  }
0xa6: {  	s0 =	rddreg [dreg:$0x0];
	s2 =	stileid.u32  }
0xa7: {  	s1 =	rddreg [dreg:$0x1];
	p0 =	sne.s32 s2, $0x0  }
0xa8: {  	s3 =	rddreg [dreg:$0x2];
	[bflag:$0x3] =	sbarrier.arrive $0xFFFF;
	s2 =	simm.s32 @!p0 $0x1C07  }
0xa9: {  	[timem:s3], [sflag:s2] =	dma.local @!p0 [hbm:s0], s1  }
0xaa: {  	s0 =	simm.s32 @!p0 $0x7  }
0xab: {  	_ =	swait.ge @!p0 [sflag:s0], s1  }
0xac: {  	s1 =	ssub.s32 @!p0 $0x0, s1;
	[sflag:s0] =	ssyncset.done @!p0 $0x0  }
0xad: {  	[sflag:s0] =	ssyncadd.s32 @!p0 s1  }
0xae: {  	[bflag:$0x3] =	sbarrier.arrive $0xFFFF  }
0xaf: {  	_ =	shalt  }

// kernel: sparse-core-data-format-call.cloned.1.call-start
scs
called_computation_lowered:
.L_overlay_start_0:
0x0: {  	s2 =	sld [smem:$0x3FD9]  }
0x1: {  	s3 =	sld [smem:$0x3FFE];
	_ =	sdelay $0x1  }
0x2: {  	s1 =	srdreg.scid  }
0x3: {  	s0 =	sand.u32 $0x1, s1  }
0x4: {  	s18 =	sshll.u32 s0, $0xA;
	s2 =	sadd.s32 s3, s2  }
0x5: {  	s2 =	sadd.s32 s2, s18  }
0x6: {  	[smem:$0x3FC6] =	sst s2  }
0x7: {  	_ = 	snop  }
0x8: {  	s2 =	sld [smem:$0x3FD0];
	(tm) =	ssettm $0x1  }
0x9: {  	s19 =	sld [smem:$0x3FFB];
	_ =	sdelay $0x3  }
0xa: {  	_ =	strace s19  }
0xb: {  	s3 =	sld [smem:$0x3FFC];
	_ =	sdelay $0x3  }
0xc: {  	_ =	strace s3  }
0xd: {  	s3 =	sld [smem:$0x3FFD];
	_ =	sdelay $0x3  }
0xe: {  	_ =	strace s3  }
0xf: {  	_ =	strace $0x8FFFFFFF  }
0x10: {  	s20 =	sld [smem:$0x3FDB];
	_ =	sdelay $0x1  }
0x11: {  	s4 =	simm.s32 $_scs_section_size  }
0x12: {  	s5 =	simm.s32 $_size__tile_overlayer_lowered;
	s6 =	simm.s32 $_tile_overlayer_lowered  }
0x13: {  	s23 =	simm.s32 $0x1BFF;
	s22 =	sshll.u32 s6, $0x1;
	s3 =	sadd.s32 s4, s20  }
0x14: {  	s7 =	simm.s32 $0x0;
	s21 =	sshll.u32 s5, $0x1;
	s5 =	sadd.s32 s22, s3  }
0x15: {  	[timem:s7], [sflag:s23] =	dma.local [hbm:s5], s21  }
0x16: {  	_ =	swait.ge [sflag:s23], s21  }
0x17: {  	s4 =	ssub.s32 $0x0, s21;
	[sflag:s23] =	ssyncset.done $0x0  }
0x18: {  	[sflag:s23] =	ssyncadd.s32 s4;
	_ =	sdelay $0x1  }
0x19: {  	s24 =	simm.s32 $0x1B8B  }
0x1a: {  	_ =	swait.ge [sflag:s24], $0x1  }
0x1b: {  	[sflag:s24] =	ssyncset.done $0x0  }
0x1c: {  	s26 =	simm.s32 $0x1B8E;
	s25 =	sld [smem:$0x3FFE];
	[sflag:s24] =	ssyncadd.s32 $0xFFFFFFFF  }
0x1d: {  	s27 =	simm.s32 $execute0_lowered;
	[smem:$0x3FD2] =	sst s26  }
0x1e: {  	s5 =	sshll.u32 s27, $0x1;
	_ =	strace $0x80000049;
	[dreg:$0x1] =	wrdreg $0xFFFFFFFF  }
0x1f: {  	s28 =	simm.s32 $_size_execute0_lowered;
	s3 =	sadd.s32 s3, s5;
	[dreg:$0x0] =	wrdreg $0x0  }
0x20: {  	s5 =	sshll.u32 s28, $0x1;
	[dreg:$0x2] =	wrdreg s3  }
0x21: {  	[dreg:$0x3] =	wrdreg s5  }
0x22: {  	[dreg:$0x4] =	wrdreg $0xC0  }
0x23: {  	_ =	task [dreg:s7], $0x5FFFF  }
0x24: {  	[dreg:$0x1] =	wrdreg $0xFFFFFFFF  }
0x25: {  	[dreg:$0x0] =	wrdreg $0x60  }
0x26: {  	[dreg:$0x2] =	wrdreg s25  }
0x27: {  	[dreg:$0x3] =	wrdreg s2  }
0x28: {  	[dreg:$0x4] =	wrdreg $0x9  }
0x29: {  	_ =	task.clear_ibuf [dreg:s7], $0x5FFFF;
	_ =	strace $0x90000049  }
0x2a: {  	s29 =	simm.s32 $0x9;
	_ =	strace $0x8000004B  }
0x2b: {  	_ =	swait.ge [sflag:s29], $0x1  }
0x2c: {  	[sflag:s29] =	ssyncadd.s32 $0xFFFFFFFF  }
0x2d: {  	_ =	strace $0x9000004B  }
0x2e: {  	_ =	sfence  }
0x2f: {  	s30 =	sld [smem:$0x0];
	_ =	sdelay $0x2  }
0x30: {  	s31 =	sshll.u32 s1, $0xD;
	s1 =	sshrl.u32 s1, $0x2  }
0x31: {  	s3 =	sand.u32 $0x4000, s31;
	s1 =	sadd.s32 s1, s30  }
0x32: {  	s0 =	sor.u32 s3, s0;
	s1 =	sshll.u32 s1, $0x11  }
0x33: {  	s0 =	sor.u32 s1, s0  }
0x34: {  	s0 =	sadd.s32 $0x8F2B, s0  }
0x35: {  	[sflag:s0] =	ssyncadd.remote.s32 $0x1  }
0x36: {  	_ =	sfence.sel $0xFFFF  }
0x37: {  	[dreg:$0x0] =	wrdreg $0xFFFFFFFF;
	(pc) =	sbr.abs _section_cstart, $3  }
0x38: {  	[dreg:$0x1] =	wrdreg $0xFFFFFFFF  }
0x39: {  	_ =	task.clear_ibuf [dreg:s7], $0x2FFFF;
	_ =	strace $0x9FFFFFFF  }
0x3a: {  	(tm) =	ssettm $0x7FFFFFFF  }
0x3b: {  	_ =	shalt  }
tec
execute0_lowered:
.L_overlay_start_1:
0x0: {  	(tag) =	ssettag $0x1  }
0x1: {  	s0 =	srdreg.scid  }
0x2: {  	s1 =	sshll.u32 s0, $0x4  }
0x3: {  	s0 =	stileid.u32;
	s1 =	sand.u32 $0x10, s1  }
0x4: {  	s1 =	sor.u32 s0, s1  }
0x5: {  	s6 =	rddreg [dreg:$0x0];
	s4 =	simm.s32 $0x1;
	s2 =	sshll.u32 s1, $0x7  }
0x6: {  	s7 =	simm.s32 $0x2;
	s12 =	simm.s32 $0x0;
	s1 =	ssub.s32 $0x4000, s2  }
0x7: {  	s8 =	simm.s32 $0x20000;
	s13 =	simm.s32 $0x0;
	s3 =	sand.u32 $0xF80, s1  }
0x8: {  	s9 =	simm.s32 $0x0;
	s5 =	sshrl.u32 s1, $0xC;
	p0 =	sne.s32 s3, $0x0  }
.Ltmp0:
0x9: {  	s1 =	rddreg [dreg:$0x2];
	s4 =	simm.s32 @!p0 $0x0;
	(pc) =	sbr.rel .LBB1_1-.Ltmp0, $4  }
0xa: {  	s11 =	simm.s32 $0x0;
	s3 =	rddreg [dreg:$0x1];
	s5 =	sadd.s32 s4, s5  }
0xb: {  	_ =	strace $0x8000004A;
	s4 =	simm.s32 $0x1;
	s5 =	smul.u32 $0x32, s5  }
0xc: {  	s6 =	sadd.s32 $0xA00, s6;
	s10 =	smov.u32 s2;
	[sflag:s4] =	ssyncpa.u1 $0x0  }
0xd: {  	p0 =	por $0x0, $0x0;
	[sflag:s7] =	ssyncpa.u1 $0x0;
	s7 =	sor.u32 $0x1, s5  }
.LBB1_4:
0xe: {  	s16 =	sshll.u32 s13, $0x3;
	s17 =	sand.u32 $0x78, s13  }
0xf: {  	s30 =	sand.u32 $0x1F800, s13;
	s12 =	sshll.u32 s12, $0x11;
	s16 =	sand.u32 $0x3C00, s16  }
0x10: {  	[tilespmem:s15+$0x810 ss:$0x81] =	vst.msk $0xffff, v2;
	s31 =	sand.u32 $0x7, s13;
	s16 =	sor.u32 s17, s16;
	s17 =	sadd.s32 s3, s30  }
0x11: {  	[tilespmem:s15+$0x1020 ss:$0x81] =	vst.msk $0xffff, v0;
	s13 =	sshll.u32 s31, $0x12;
	s12 =	sadd.s32 s12, s17;
	s16 =	sshrl.u32 s16, $0x3  }
0x12: {  	[tilespmem:s15+$0x0 ss:$0x81] =	vst.msk $0xffff, v1;
	s13 =	sor.u32 $0x400, s13;
	s12 =	sadd.s32 s16, s12  }
0x13: {  	[hbm4b:s12+s13] =	stream.strided.scatter [tilespmem:s14], [sflag:$0x2], $0x2000, s8, s13, $0x20;
	[tilespmem:$0x8080] =	vst v63  }
.LBB1_5:
0x14: {  	s14 =	sadd.s32 $0x1, s9  }
0x15: {  	s12 =	sadd.s32 $0x1000, s10;
	s16 =	smov.u32 s10;
	p2 =	sgt.s32 s14, $0x31  }
0x16: {  	s16 =	smov.u32 @p2 s12  }
0x17: {  	s14 =	simm.s32 @p2 $0x0;
	p2 =	sgt.s32 s16, $0x3FFF  }
0x18: {  	s16 =	smov.u32 @p2 s2;
	p2 =	sne.s32 s11, s7  }
.Ltmp1:
0x19: {  	p1 =	slt.u32 s11, $0x2;
	(pc) =	sbr.rel @!p2 .LBB1_6-.Ltmp1, $4  }
0x1a: {  	s15 =	simm.s32 @!p1 $0x2  }
0x1b: {  	s13 =	smov.u32 s10;
	p0 =	por !p0, !p0;
	_ =	swait.ge @!p1 [sflag:s15], $0x2000  }
0x1c: {  	s12 =	smov.u32 s9;
	[sflag:s15] =	ssyncset.done @!p1 $0x0;
	s9 =	smov.u32 s14  }
0x1d: {  	s11 =	sadd.s32 $0x1, s11;
	[sflag:s15] =	ssyncadd.s32 @!p1 $0xFFFFE000;
	s10 =	smov.u32 s16  }
.LBB1_1:
0x1e: {  	p1 =	sge.u32 s11, s5  }
0x1f: {  	s14 =	sand.u32 @!p1 $0x1FFFFFF, s9  }
0x20: {  	s15 =	smulhi.u32 @!p1 $0x4924925, s14;
	_ =	sdelay $0x1  }
0x21: {  	s15 =	smul.u32 @!p1 $0x38, s15  }
0x22: {  	s16 =	sxor.u32 @!p1 $0xFFFFFFFF, s11;
	s17 =	smul.u32 @!p1 $0x380, s10  }
0x23: {  	s31 =	sadd.s32 $0xFFFFFFFF, s11;
	s16 =	sshll.u32 @!p1 s16, $0xD;
	s14 =	ssub.s32 @!p1 s14, s15  }
0x24: {  	s15 =	sand.u32 @!p1 $0x2000, s16;
	s16 =	sadd.s32 @!p1 s6, s17;
	s14 =	sshll.u32 @!p1 s14, $0x4  }
0x25: {  	s17 =	simm.s32 @!p1 $0x1C00;
	s14 =	sadd.s32 @!p1 s14, s16;
	s16 =	simm.s32 @!p1 $0x40  }
0x26: {  	[tilespmem:s15], [sflag:$0x1] =	stream.strided.gather @!p1 [hbm4b:s14+s16], $0x2000, s17, s16, $0x38;
	[tilespmem:$0x8080] =	vst v63  }
0x27: {  	p1 =	sge.u32 s31, s5  }
.Ltmp2:
0x28: {  	_ = 	snop;
	(pc) =	sbr.rel @p1 .LBB1_5-.Ltmp2, $1  }
0x29: {  	_ =	sdelay $0x3  }
0x2a: {  	s14 =	simm.s32 $0x1  }
0x2b: {  	_ =	swait.ge [sflag:s4], $0x2000;
	s14 =	simm.s32 @!p0 $0x0  }
0x2c: {  	[sflag:s4] =	ssyncset.done $0x0;
	s15 =	sshll.u32 s14, $0xD  }
0x2d: {  	[sflag:s4] =	ssyncadd.s32 $0xFFFFE000;
	s18 =	sor.u32 $0x20, s15  }
0x2e: {  	s14 =	smul.u32 $0x8100, s14;
	v3 =	vld [tilespmem:s18+$0x10]  }
0x2f: {  	s30 =	sand.u32 $0x1, s11;
	v2 =	vld [tilespmem:s18+$0xFFFFFFF0]  }
0x30: {  	s15 =	smul.u32 $0x8100, s30;
	s14 =	sshrl.u32 s14, $0x2;
	v0 =	vld [tilespmem:s18+$0x0]  }
0x31: {  	v1 =	vld [tilespmem:s18+$0xFFFFFFE0];
	s16 =	sor.u32 $0x4000, s14  }
0x32: {  	s31 =	sshrl.u32 s15, $0x2;
	s15 =	sadd.s32 $0x0, s16  }
0x33: {  	s17 =	simm.s32 $0x4;
	s18 =	sadd.s32 $0x40, s18;
	s14 =	sor.u32 $0x4000, s31;
	[tilespmem:s15+$0x1830 ss:$0x81] =	vst.msk $0xffff, v3  }
.LBB1_3:
0x34: {  	v3 =	vld [tilespmem:s18+$0x10];
	p1 =	sne.s32 s17, $0x1FC;
	[tilespmem:s15+$0x810 ss:$0x81] =	vst.msk $0xffff, v2;
	s19 =	smov.u32 s17;
	s17 =	sadd.s32 $0x4, s17  }
.Ltmp3:
0x35: {  	v2 =	vld [tilespmem:s18+$0xFFFFFFF0];
	[tilespmem:s15+$0x1020 ss:$0x81] =	vst.msk $0xffff, v0;
	(pc) =	sbr.rel @p1 .LBB1_3-.Ltmp3, $4  }
0x36: {  	v0 =	vld [tilespmem:s18+$0x0];
	[tilespmem:s15+$0x0 ss:$0x81] =	vst.msk $0xffff, v1  }
0x37: {  	s15 =	sshra.s32 s19, $0x2;
	v1 =	vld [tilespmem:s18+$0xFFFFFFE0]  }
0x38: {  	s15 =	sadd.s32 s15, s16  }
0x39: {  	s18 =	sadd.s32 $0x40, s18;
	[tilespmem:s15+$0x1830 ss:$0x81] =	vst.msk $0xffff, v3  }
.Ltmp4:
0x3a: {  	_ = 	snop;
	(pc) =	sbr.rel .LBB1_4-.Ltmp4, $1  }
0x3b: {  	_ =	sdelay $0x3  }
.LBB1_6:
0x3c: {  	_ =	sfence.sel $0x180000  }
0x3d: {  	s2 =	simm.s32 $0x1;
	[bflag:$0x0] =	sbarrier.arrive $0xFFFF  }
0x3e: {  	s31 =	simm.s32 $0x2;
	[sflag:s2] =	ssyncpa.u1 $0x1  }
0x3f: {  	[sflag:s31] =	ssyncpa.u1 $0x1  }
0x40: {  	p0 =	sne.s32 s0, $0x0;
	_ =	strace $0x9000004A  }
0x41: {  	s0 =	sadd.s32 @!p0 $0x100000, s1;
	[bflag:$0x2] =	sbarrier.arrive $0xFFFF  }
0x42: {  	[sflag:s0] =	ssyncadd.tile.s32 @!p0 $0x1;
	_ =	shalt  }
.Lfunc_end1:
_tile_overlayer_lowered:
.L_overlay_start_2:
0x43: {  	(tag) =	ssettag $0x2  }
0x44: {  	s0 =	rddreg [dreg:$0x0];
	s2 =	stileid.u32  }
0x45: {  	s1 =	rddreg [dreg:$0x1];
	p0 =	sne.s32 s2, $0x0  }
0x46: {  	s3 =	rddreg [dreg:$0x2];
	[bflag:$0x3] =	sbarrier.arrive $0xFFFF;
	s2 =	simm.s32 @!p0 $0x1C01  }
0x47: {  	[timem:s3], [sflag:s2] =	dma.local @!p0 [hbm:s0], s1  }
0x48: {  	s0 =	simm.s32 @!p0 $0x1  }
0x49: {  	_ =	swait.ge @!p0 [sflag:s0], s1  }
0x4a: {  	s1 =	ssub.s32 @!p0 $0x0, s1;
	[sflag:s0] =	ssyncset.done @!p0 $0x0  }
0x4b: {  	[sflag:s0] =	ssyncadd.s32 @!p0 s1  }
0x4c: {  	[bflag:$0x3] =	sbarrier.arrive $0xFFFF  }
0x4d: {  	_ =	shalt  }

</sc_bundles>
